<compile_context>
chip_gen: v7x
topology: tpu7x:2x2x1
jax: 0.10.2.dev20260603
libtpu: 0.0.44.dev20260713+nightly
codegen_flags: <defaults>
</compile_context>

<pallas_src>
import functools

import jax
import jax.numpy as jnp
import numpy as np
from jax import lax
from jax.experimental import pallas as pl
from jax.experimental.pallas import tpu as pltpu
from jax.experimental.pallas import tpu_sc as plsc

_B = 16
_N = 4096
_D = 64
_C = 1024
_K = 32
_R2 = 0.2 * 0.2
_IN = 3 + _D
_INP = 72
_M = _B * _C * _K

_TM = 8192
_GM = _M // _TM
_TC = _TM // _K
_EPS = 1e-5

_NW = 32
_ROWS_W = _M // _NW
_GCHUNK = 512

_INTERPRET = False


def _fps_body(ct_ref, far0_ref, out_ref):
    ct = ct_ref[...]
    lin = jax.lax.broadcasted_iota(jnp.int32, (_B, _N), 1)
    big = jnp.int32(2 ** 30)

    offs = jax.lax.broadcasted_iota(jnp.int32, (1, _B), 1) * _N

    def body(i, carry):
        dist, far = carry
        out_ref[pl.ds(i, 1), :] = far.reshape(1, _B) + offs
        onehot = (lin == far).astype(jnp.float32)
        cd = [jnp.sum(onehot * ct[:, d, :], axis=1, keepdims=True)[:, None, :]
              for d in range(3)]
        dd = ct - jnp.concatenate(cd, axis=1)
        d2 = jnp.sum(dd * dd, axis=1)
        dist = jnp.minimum(dist, d2)
        m = jnp.max(dist, axis=1, keepdims=True)
        far = jnp.min(jnp.where(dist == m, lin, big), axis=1, keepdims=True)
        return dist, far

    jax.lax.fori_loop(
        0, _C, body,
        (jnp.full((_B, _N), jnp.float32(jnp.inf)), far0_ref[...]))


def _fps_idx(coords):
    farthest0 = jax.random.randint(jax.random.key(42), (_B,), 0, _N, dtype=jnp.int32)
    out = pl.pallas_call(
        _fps_body,
        grid=(1,),
        in_specs=[pl.BlockSpec((_B, 3, _N), lambda i: (0, 0, 0)),
                  pl.BlockSpec((_B, 1), lambda i: (0, 0))],
        out_specs=pl.BlockSpec((_C, _B), lambda i: (0, 0)),
        out_shape=jax.ShapeDtypeStruct((_C, _B), jnp.int32),
        interpret=_INTERPRET,
    )(jnp.transpose(coords, (0, 2, 1)), farthest0[:, None])
    return out.T.reshape(_B * _C)


_TCB = 256


def _topk_body(cent_ref, ct_ref, out_ref):
    ct = ct_ref[0]
    cent = cent_ref[...]
    x2 = jnp.sum(ct * ct, axis=0, keepdims=True)
    c2 = jnp.sum(cent * cent, axis=1, keepdims=True)
    dots = jnp.dot(cent, ct, preferred_element_type=jnp.float32)
    d2 = jnp.maximum(c2 + x2 - 2.0 * dots, 0.0)
    vals0 = jnp.where(d2 <= _R2, d2, jnp.float32(1e30))
    lin = jax.lax.broadcasted_iota(jnp.int32, (_TCB, _N), 1)
    kl = jax.lax.broadcasted_iota(jnp.int32, (_TCB, _K), 1)
    big = jnp.int32(2 ** 30)

    def body(k, carry):
        vals, acc, prev = carry
        vals = jnp.where(lin == prev, jnp.float32(1e31), vals)
        m = jnp.min(vals, axis=1, keepdims=True)
        idx = jnp.min(jnp.where(vals == m, lin, big), axis=1, keepdims=True)
        acc = jnp.where(kl == k, idx, acc)
        return vals, acc, idx

    _, acc, _ = jax.lax.fori_loop(
        0, _K, body,
        (vals0, jnp.zeros((_TCB, _K), jnp.int32),
         jnp.full((_TCB, 1), jnp.int32(-1))))
    out_ref[...] = acc + pl.program_id(0) * _N


def _ball_topk(cent_flat, coords_t):
    jc = _C // _TCB
    return pl.pallas_call(
        _topk_body,
        grid=(_B, jc),
        in_specs=[pl.BlockSpec((_TCB, 3), lambda b, j: (b * jc + j, 0)),
                  pl.BlockSpec((1, 3, _N), lambda b, j: (b, 0, 0))],
        out_specs=pl.BlockSpec((_TCB, _K), lambda b, j: (b * jc + j, 0)),
        out_shape=jax.ShapeDtypeStruct((_B * _C, _K), jnp.int32),
        interpret=_INTERPRET,
    )(cent_flat, coords_t)


def _sc_gather(p_flat, idx_flat):
    nrows = idx_flat.shape[0]
    rows_w = nrows // _NW
    chunk = min(_GCHUNK, rows_w)
    mesh = plsc.VectorSubcoreMesh(core_axis_name="c", subcore_axis_name="s")

    @functools.partial(
        pl.kernel,
        out_type=jax.ShapeDtypeStruct((nrows, _INP), jnp.float32),
        mesh=mesh,
        scratch_types=[
            pltpu.VMEM((chunk,), jnp.int32),
            pltpu.VMEM((chunk, _INP), jnp.float32),
            pltpu.SemaphoreType.DMA,
        ],
        compiler_params=pltpu.CompilerParams(use_tc_tiling_on_sc=False),
    )
    def gk(p_hbm, idx_hbm, out_hbm, idx_v, rows_v, sem):
        wid = lax.axis_index("s") * 2 + lax.axis_index("c")
        base = wid * rows_w

        def body(j, carry):
            off = base + j * chunk
            pltpu.sync_copy(idx_hbm.at[pl.ds(off, chunk)], idx_v)
            pltpu.async_copy(p_hbm.at[idx_v], rows_v, sem).wait()
            pltpu.sync_copy(rows_v, out_hbm.at[pl.ds(off, chunk)])
            return carry

        lax.fori_loop(0, rows_w // chunk, body, 0)

    return gk(p_flat, idx_flat)


def _layer1(x_ref, cent_ref, w0_ref, b0_ref):
    y1 = jnp.dot(x_ref[...], w0_ref[...], preferred_element_type=jnp.float32) + b0_ref[...]
    cw = jnp.dot(cent_ref[...], w0_ref[0:3, :], preferred_element_type=jnp.float32)
    y1 = (y1.reshape(_TC, _K, y1.shape[-1]) - cw[:, None, :]).reshape(_TM, y1.shape[-1])
    return y1


def _acc_stats(i, s_ref, q_ref, y):
    s = jnp.sum(y, axis=0, keepdims=True)
    q = jnp.sum(y * y, axis=0, keepdims=True)

    @pl.when(i == 0)
    def _():
        s_ref[...] = jnp.zeros_like(s_ref)
        q_ref[...] = jnp.zeros_like(q_ref)

    s_ref[...] += s
    q_ref[...] += q


def _p1_kernel(x_ref, cent_ref, w0_ref, b0_ref, s_ref, q_ref):
    y1 = _layer1(x_ref, cent_ref, w0_ref, b0_ref)
    _acc_stats(pl.program_id(0), s_ref, q_ref, y1)


def _p2_kernel(x_ref, cent_ref, w0_ref, b0_ref, a1_ref, c1_ref, w1_ref, b1_ref,
               s_ref, q_ref):
    y1 = _layer1(x_ref, cent_ref, w0_ref, b0_ref)
    h1 = jnp.maximum(y1 * a1_ref[...] + c1_ref[...], 0.0)
    y2 = jnp.dot(h1, w1_ref[...], preferred_element_type=jnp.float32) + b1_ref[...]
    _acc_stats(pl.program_id(0), s_ref, q_ref, y2)


def _p3_kernel(x_ref, cent_ref, w0_ref, b0_ref, a1_ref, c1_ref, w1_ref, b1_ref,
               a2_ref, c2_ref, w2_ref, b2_ref, mx_ref, mn_ref, s_ref, q_ref):
    y1 = _layer1(x_ref, cent_ref, w0_ref, b0_ref)
    h1 = jnp.maximum(y1 * a1_ref[...] + c1_ref[...], 0.0)
    y2 = jnp.dot(h1, w1_ref[...], preferred_element_type=jnp.float32) + b1_ref[...]
    h2 = jnp.maximum(y2 * a2_ref[...] + c2_ref[...], 0.0)
    y3 = jnp.dot(h2, w2_ref[...], preferred_element_type=jnp.float32) + b2_ref[...]
    y3r = y3.reshape(_TC, _K, y3.shape[-1])
    mx_ref[...] = jnp.max(y3r, axis=1)
    mn_ref[...] = jnp.min(y3r, axis=1)
    _acc_stats(pl.program_id(0), s_ref, q_ref, y3)


def _p4_kernel(mx_ref, mn_ref, a_ref, c_ref, o_ref):
    a = a_ref[...]
    y = jnp.where(a >= 0.0, mx_ref[...], mn_ref[...]) * a + c_ref[...]
    o_ref[...] = jnp.maximum(y, 0.0)


def _row_spec(ch):
    return pl.BlockSpec((1, ch), lambda i: (0, 0))


def _full_spec(r, c):
    return pl.BlockSpec((r, c), lambda i: (0, 0))


def _stats_out(ch):
    return (jax.ShapeDtypeStruct((1, ch), jnp.float32),
            jax.ShapeDtypeStruct((1, ch), jnp.float32))


def _bn_affine(s, q, g, be):
    mu = s / _M
    var = q / _M - mu * mu
    a = g[None, :] / jnp.sqrt(var + _EPS)
    c = be[None, :] - mu * a
    return a, c


def kernel(coords, features, W0, b0, g0, be0, W1, b1, g1, be1, W2, b2, g2, be2):
    p_flat = jnp.concatenate(
        [coords, features,
         jnp.zeros((_B, _N, _INP - _IN), jnp.float32)], axis=-1).reshape(_B * _N, _INP)
    gidx_cent = _fps_idx(jax.lax.stop_gradient(coords))
    cent_flat = _sc_gather(p_flat, gidx_cent)[:, :3]
    cent = cent_flat.reshape(_B, _C, 3)

    idx_flat = _ball_topk(cent_flat, jnp.transpose(coords, (0, 2, 1))).reshape(_M)
    x = _sc_gather(p_flat, idx_flat)
    w0t = jnp.concatenate([W0.T, jnp.zeros((_INP - _IN, W0.shape[0]), jnp.float32)])
    w1t = W1.T
    w2t = W2.T
    b0r = b0[None, :]
    b1r = b1[None, :]
    b2r = b2[None, :]

    m1, m2, m3 = 64, 64, 128
    x_spec = pl.BlockSpec((_TM, _INP), lambda i: (i, 0))
    cent_spec = pl.BlockSpec((_TC, 3), lambda i: (i, 0))

    s1, q1 = pl.pallas_call(
        _p1_kernel,
        grid=(_GM,),
        in_specs=[x_spec, cent_spec, _full_spec(_INP, m1), _row_spec(m1)],
        out_specs=[_row_spec(m1), _row_spec(m1)],
        out_shape=_stats_out(m1),
        interpret=_INTERPRET,
    )(x, cent_flat, w0t, b0r)
    a1, c1 = _bn_affine(s1, q1, g0, be0)

    s2, q2 = pl.pallas_call(
        _p2_kernel,
        grid=(_GM,),
        in_specs=[x_spec, cent_spec, _full_spec(_INP, m1), _row_spec(m1),
                  _row_spec(m1), _row_spec(m1), _full_spec(m1, m2), _row_spec(m2)],
        out_specs=[_row_spec(m2), _row_spec(m2)],
        out_shape=_stats_out(m2),
        interpret=_INTERPRET,
    )(x, cent_flat, w0t, b0r, a1, c1, w1t, b1r)
    a2, c2 = _bn_affine(s2, q2, g1, be1)

    rows_out = _M // _K
    mx, mn, s3, q3 = pl.pallas_call(
        _p3_kernel,
        grid=(_GM,),
        in_specs=[x_spec, cent_spec, _full_spec(_INP, m1), _row_spec(m1),
                  _row_spec(m1), _row_spec(m1), _full_spec(m1, m2), _row_spec(m2),
                  _row_spec(m2), _row_spec(m2), _full_spec(m2, m3), _row_spec(m3)],
        out_specs=[pl.BlockSpec((_TC, m3), lambda i: (i, 0)),
                   pl.BlockSpec((_TC, m3), lambda i: (i, 0)),
                   _row_spec(m3), _row_spec(m3)],
        out_shape=(jax.ShapeDtypeStruct((rows_out, m3), jnp.float32),
                   jax.ShapeDtypeStruct((rows_out, m3), jnp.float32)) + _stats_out(m3),
        interpret=_INTERPRET,
    )(x, cent_flat, w0t, b0r, a1, c1, w1t, b1r, a2, c2, w2t, b2r)
    a3, c3 = _bn_affine(s3, q3, g2, be2)

    to = 2048
    out = pl.pallas_call(
        _p4_kernel,
        grid=(rows_out // to,),
        in_specs=[pl.BlockSpec((to, m3), lambda i: (i, 0)),
                  pl.BlockSpec((to, m3), lambda i: (i, 0)),
                  _row_spec(m3), _row_spec(m3)],
        out_specs=pl.BlockSpec((to, m3), lambda i: (i, 0)),
        out_shape=jax.ShapeDtypeStruct((rows_out, m3), jnp.float32),
        interpret=_INTERPRET,
    )(mx, mn, a3, c3)

    return (cent, out.reshape(_B, _C, m3))

# --- scband reference (transcript-rebuilt; emitter-appended) ---
"""Pipeline reference for scband-set-abstraction-22522808500492 (READ-ONLY COPY).

The authoritative reference and input builder live on the scoring server;
editing this copy changes nothing except your own understanding.
"""

import jax
import jax.numpy as jnp
import numpy as np

B = 16
N = 4096
D = 64
C = 1024
K = 32
RADIUS = 0.2
MLPS = [64, 64, 128]
IN_CH = 3 + D


def setup_inputs(seed: int = 0):
    key = jax.random.key(seed)
    inp = {}
    inp["coords"] = jax.random.uniform(jax.random.fold_in(key, 0), (B, N, 3), dtype=jnp.float32)
    inp["features"] = jax.random.normal(jax.random.fold_in(key, 1), (B, N, D), dtype=jnp.float32)
    prev = IN_CH
    for i, m in enumerate(MLPS):
        inp[f"W{i}"] = jax.random.normal(jax.random.fold_in(key, 10 + i), (m, prev), dtype=jnp.float32) / np.sqrt(prev)
        inp[f"b{i}"] = jnp.zeros((m,), jnp.float32)
        inp[f"g{i}"] = jnp.ones((m,), jnp.float32)
        inp[f"be{i}"] = jnp.zeros((m,), jnp.float32)
        prev = m
    return inp


def _fps_indices(coords):
    # farthest point sampling; uses squared distances (monotonic in L2 norm,
    # so selected indices are identical to the torch version using vector_norm)
    distance0 = jnp.full((B, N), jnp.inf, dtype=jnp.float32)
    farthest0 = jax.random.randint(jax.random.key(42), (B,), 0, N, dtype=jnp.int32)
    idxs0 = jnp.zeros((B, C), dtype=jnp.int32)

    def body(i, state):
        distance, farthest, idxs = state
        idxs = idxs.at[:, i].set(farthest)
        centroid = coords[jnp.arange(B), farthest][:, None, :]
        d2 = jnp.sum((coords - centroid) ** 2, axis=-1)
        distance = jnp.minimum(distance, d2)
        farthest = jnp.argmax(distance, axis=-1).astype(jnp.int32)
        return (distance, farthest, idxs)

    _, _, idxs = jax.lax.fori_loop(0, C, body, (distance0, farthest0, idxs0))
    return idxs


def _group(cent, coords, features):
    # ball query via expanded squared-distance matrix (B, C, N)
    x2 = jnp.sum(coords ** 2, axis=-1)
    c2 = jnp.sum(cent ** 2, axis=-1)
    d2 = c2[:, :, None] + x2[:, None, :] - 2.0 * jnp.einsum('bcd,bnd->bcn', cent, coords)
    d2 = jnp.maximum(d2, 0.0)
    d2 = jnp.where(d2 <= RADIUS * RADIUS, d2, jnp.inf)
    _, topk_idx = jax.lax.top_k(-d2, K)  # K smallest distances
    bidx = jnp.arange(B)[:, None, None]
    gc = coords[bidx, topk_idx] - cent[:, :, None, :]
    gf = features[bidx, topk_idx]
    return jnp.concatenate([gc, gf], axis=-1)


def _mlp(x, Ws, bs, gs, bes):
    # 1x1 Conv2d == per-point linear over channel dim; BatchNorm2d in training
    # mode normalizes per-channel over (B, C, K)
    for Wt, bb, gg, bt in zip(Ws, bs, gs, bes):
        x = x @ Wt.T + bb
        mu = jnp.mean(x, axis=(0, 1, 2), keepdims=True)
        var = jnp.var(x, axis=(0, 1, 2), keepdims=True)
        x = (x - mu) / jnp.sqrt(var + 1e-5) * gg + bt
        x = jax.nn.relu(x)
    return x


def reference(coords, features, W0, b0, g0, be0, W1, b1, g1, be1, W2, b2, g2, be2):
    idxs = _fps_indices(jax.lax.stop_gradient(coords))
    cent = coords[jnp.arange(B)[:, None], idxs]  # (B, C, 3)
    x = _group(cent, coords, features)           # (B, C, K, 3+D)
    x = _mlp(x, [W0, W1, W2], [b0, b1, b2], [g0, g1, g2], [be0, be1, be2])
    feat_out = jnp.max(x, axis=2)                # (B, C, mlps[-1]) max pooling
    return (cent, feat_out)

if __name__ == "__main__":
    import jax
    _d = setup_inputs()
    print(jax.jit(kernel)(*tuple(_d.values())))

</pallas_src>

<mosaic_0001>
#map = affine_map<(d0, d1) -> (0, 0)>
#map1 = affine_map<(d0, d1) -> (0)>
module attributes {stable_mosaic.version = 14 : i64} {
  func.func @gk(%arg0: i32, %arg1: i32, %arg2: memref<65536x72xf32, #tpu.memory_space<hbm>>, %arg3: memref<524288xi32, #tpu.memory_space<hbm>>, %arg4: memref<524288x72xf32, #tpu.memory_space<hbm>>, %arg5: memref<512xi32, #tpu.memory_space<vmem>>, %arg6: memref<512x72xf32, #tpu.memory_space<vmem>>, %arg7: memref<!tpu.dma_semaphore, #tpu.memory_space<semaphore_mem>>) attributes {dimension_semantics = [#tpu.dimension_semantics<core_parallel>, #tpu.dimension_semantics<subcore_parallel>], iteration_bounds = array<i64: 2, 16>, scalar_prefetch = 0 : i64, scratch_operands = 3 : i64, tpu.core_type = #tpu.core_type<sc_vector_subcore>, window_params = [{transform_indices = #map}, {transform_indices = #map1}, {transform_indices = #map}]} {
    %mul3A = arith.constant 2 : i32
    %mul3A_0 = arith.muli %arg1, %mul3A : i32
    %add3A = arith.addi %mul3A_0, %arg0 : i32
    %mul3A_1 = arith.constant 16384 : i32
    %mul3A_2 = arith.muli %add3A, %mul3A_1 : i32
    %scan3A = arith.constant 0 : i32
    %scan3A_3 = arith.constant 0 : i32
    %scan3A_4 = arith.constant 32 : i32
    %scan3A_5 = arith.addi %scan3A_3, %scan3A_4 : i32
    %scan3A_6 = arith.constant 1 : i32
    scf.for %scan3A_8 = %scan3A_3 to %scan3A_5 step %scan3A_6  : i32 {
      %mul3A_9 = arith.constant 512 : i32
      %mul3A_10 = arith.muli %scan3A_8, %mul3A_9 : i32
      %add3A_11 = arith.addi %mul3A_2, %mul3A_10 : i32
      "tpu.region"() ({
        %run_scoped3A = tpu.sem_alloc : memref<!tpu.dma_semaphore, #tpu.memory_space<semaphore_mem>>
        %dma_start3A_16 = tpu.memref_slice %arg3[%add3A_11] : memref<524288xi32, #tpu.memory_space<hbm>> -> memref<512xi32, #tpu.memory_space<hbm>>
        %dma_start3A_17 = tpu.memref_slice %arg3[%add3A_11] : memref<524288xi32, #tpu.memory_space<hbm>> -> memref<512xi32, #tpu.memory_space<hbm>>
        tpu.enqueue_dma source(%dma_start3A_17 : memref<512xi32, #tpu.memory_space<hbm>>) target(%arg5 : memref<512xi32, #tpu.memory_space<vmem>>) target_semaphore(%run_scoped3A : memref<!tpu.dma_semaphore, #tpu.memory_space<semaphore_mem>>)
        %dma_wait3A_18 = tpu.memref_slice %arg3[%add3A_11] : memref<524288xi32, #tpu.memory_space<hbm>> -> memref<512xi32, #tpu.memory_space<hbm>>
        %dma_wait3A_19 = tpu.memref_slice %arg3[%add3A_11] : memref<524288xi32, #tpu.memory_space<hbm>> -> memref<512xi32, #tpu.memory_space<hbm>>
        tpu.wait_dma2 semaphore(%run_scoped3A : memref<!tpu.dma_semaphore, #tpu.memory_space<semaphore_mem>>) src(%dma_wait3A_19 : memref<512xi32, #tpu.memory_space<hbm>>) dst(%arg5 : memref<512xi32, #tpu.memory_space<vmem>>)
        tpu.yield
      }) : () -> ()
      %dma_start3A = arith.constant 0 : i32
      %dma_start3A_12 = arith.constant 0 : i32
      %dma_start3A_13 = tpu.memref_slice %arg2[%dma_start3A, %dma_start3A_12] : memref<65536x72xf32, #tpu.memory_space<hbm>> -> memref<65536x72xf32, #tpu.memory_space<hbm>>
      tpu.enqueue_indirect_dma source(%dma_start3A_13 : memref<65536x72xf32, #tpu.memory_space<hbm>>) target(%arg6 : memref<512x72xf32, #tpu.memory_space<vmem>>) offsets(%arg5 : memref<512xi32, #tpu.memory_space<vmem>>) semaphore(%arg7 : memref<!tpu.dma_semaphore, #tpu.memory_space<semaphore_mem>>)
      %dma_wait3A = arith.constant 0 : i32
      %dma_wait3A_14 = arith.constant 0 : i32
      %dma_wait3A_15 = tpu.memref_slice %arg2[%dma_wait3A, %dma_wait3A_14] : memref<65536x72xf32, #tpu.memory_space<hbm>> -> memref<65536x72xf32, #tpu.memory_space<hbm>>
      tpu.wait_indirect_dma semaphore(%arg7 : memref<!tpu.dma_semaphore, #tpu.memory_space<semaphore_mem>>) src(%dma_wait3A_15 : memref<65536x72xf32, #tpu.memory_space<hbm>>) dst(%arg6 : memref<512x72xf32, #tpu.memory_space<vmem>>)
      "tpu.region"() ({
        %run_scoped3A = tpu.sem_alloc : memref<!tpu.dma_semaphore, #tpu.memory_space<semaphore_mem>>
        %dma_start3A_16 = arith.constant 0 : i32
        %dma_start3A_17 = tpu.memref_slice %arg4[%add3A_11, %dma_start3A_16] : memref<524288x72xf32, #tpu.memory_space<hbm>> -> memref<512x72xf32, #tpu.memory_space<hbm>>
        %dma_start3A_18 = arith.constant 0 : i32
        %dma_start3A_19 = tpu.memref_slice %arg4[%add3A_11, %dma_start3A_18] : memref<524288x72xf32, #tpu.memory_space<hbm>> -> memref<512x72xf32, #tpu.memory_space<hbm>>
        tpu.enqueue_dma source(%arg6 : memref<512x72xf32, #tpu.memory_space<vmem>>) target(%dma_start3A_19 : memref<512x72xf32, #tpu.memory_space<hbm>>) target_semaphore(%run_scoped3A : memref<!tpu.dma_semaphore, #tpu.memory_space<semaphore_mem>>)
        %dma_wait3A_20 = arith.constant 0 : i32
        %dma_wait3A_21 = tpu.memref_slice %arg4[%add3A_11, %dma_wait3A_20] : memref<524288x72xf32, #tpu.memory_space<hbm>> -> memref<512x72xf32, #tpu.memory_space<hbm>>
        %dma_wait3A_22 = arith.constant 0 : i32
        %dma_wait3A_23 = tpu.memref_slice %arg4[%add3A_11, %dma_wait3A_22] : memref<524288x72xf32, #tpu.memory_space<hbm>> -> memref<512x72xf32, #tpu.memory_space<hbm>>
        tpu.wait_dma2 semaphore(%run_scoped3A : memref<!tpu.dma_semaphore, #tpu.memory_space<semaphore_mem>>) src(%arg6 : memref<512x72xf32, #tpu.memory_space<vmem>>) dst(%dma_wait3A_23 : memref<512x72xf32, #tpu.memory_space<hbm>>)
        tpu.yield
      }) : () -> ()
    }
    %scan3A_7 = arith.constant 32 : i32
    return
  }
}

#map = affine_map<(d0, d1) -> (0, 0)>
#map1 = affine_map<(d0, d1) -> (0)>
module attributes {stable_mosaic.version = 14 : i64} {
  func.func @gk(%arg0: i32, %arg1: i32, %arg2: memref<65536x72xf32, #tpu.memory_space<hbm>>, %arg3: memref<16384xi32, #tpu.memory_space<hbm>>, %arg4: memref<16384x72xf32, #tpu.memory_space<hbm>>, %arg5: memref<512xi32, #tpu.memory_space<vmem>>, %arg6: memref<512x72xf32, #tpu.memory_space<vmem>>, %arg7: memref<!tpu.dma_semaphore, #tpu.memory_space<semaphore_mem>>) attributes {dimension_semantics = [#tpu.dimension_semantics<core_parallel>, #tpu.dimension_semantics<subcore_parallel>], iteration_bounds = array<i64: 2, 16>, scalar_prefetch = 0 : i64, scratch_operands = 3 : i64, tpu.core_type = #tpu.core_type<sc_vector_subcore>, window_params = [{transform_indices = #map}, {transform_indices = #map1}, {transform_indices = #map}]} {
    %mul3A = arith.constant 2 : i32
    %mul3A_0 = arith.muli %arg1, %mul3A : i32
    %add3A = arith.addi %mul3A_0, %arg0 : i32
    %mul3A_1 = arith.constant 512 : i32
    %mul3A_2 = arith.muli %add3A, %mul3A_1 : i32
    %scan3A = arith.constant 0 : i32
    %scan3A_3 = arith.constant 0 : i32
    %mul3A_4 = arith.constant 512 : i32
    %mul3A_5 = arith.muli %scan3A_3, %mul3A_4 : i32
    %add3A_6 = arith.addi %mul3A_2, %mul3A_5 : i32
    "tpu.region"() ({
      %run_scoped3A = tpu.sem_alloc : memref<!tpu.dma_semaphore, #tpu.memory_space<semaphore_mem>>
      %dma_start3A_12 = tpu.memref_slice %arg3[%add3A_6] : memref<16384xi32, #tpu.memory_space<hbm>> -> memref<512xi32, #tpu.memory_space<hbm>>
      %dma_start3A_13 = tpu.memref_slice %arg3[%add3A_6] : memref<16384xi32, #tpu.memory_space<hbm>> -> memref<512xi32, #tpu.memory_space<hbm>>
      tpu.enqueue_dma source(%dma_start3A_13 : memref<512xi32, #tpu.memory_space<hbm>>) target(%arg5 : memref<512xi32, #tpu.memory_space<vmem>>) target_semaphore(%run_scoped3A : memref<!tpu.dma_semaphore, #tpu.memory_space<semaphore_mem>>)
      %dma_wait3A_14 = tpu.memref_slice %arg3[%add3A_6] : memref<16384xi32, #tpu.memory_space<hbm>> -> memref<512xi32, #tpu.memory_space<hbm>>
      %dma_wait3A_15 = tpu.memref_slice %arg3[%add3A_6] : memref<16384xi32, #tpu.memory_space<hbm>> -> memref<512xi32, #tpu.memory_space<hbm>>
      tpu.wait_dma2 semaphore(%run_scoped3A : memref<!tpu.dma_semaphore, #tpu.memory_space<semaphore_mem>>) src(%dma_wait3A_15 : memref<512xi32, #tpu.memory_space<hbm>>) dst(%arg5 : memref<512xi32, #tpu.memory_space<vmem>>)
      tpu.yield
    }) : () -> ()
    %dma_start3A = arith.constant 0 : i32
    %dma_start3A_7 = arith.constant 0 : i32
    %dma_start3A_8 = tpu.memref_slice %arg2[%dma_start3A, %dma_start3A_7] : memref<65536x72xf32, #tpu.memory_space<hbm>> -> memref<65536x72xf32, #tpu.memory_space<hbm>>
    tpu.enqueue_indirect_dma source(%dma_start3A_8 : memref<65536x72xf32, #tpu.memory_space<hbm>>) target(%arg6 : memref<512x72xf32, #tpu.memory_space<vmem>>) offsets(%arg5 : memref<512xi32, #tpu.memory_space<vmem>>) semaphore(%arg7 : memref<!tpu.dma_semaphore, #tpu.memory_space<semaphore_mem>>)
    %dma_wait3A = arith.constant 0 : i32
    %dma_wait3A_9 = arith.constant 0 : i32
    %dma_wait3A_10 = tpu.memref_slice %arg2[%dma_wait3A, %dma_wait3A_9] : memref<65536x72xf32, #tpu.memory_space<hbm>> -> memref<65536x72xf32, #tpu.memory_space<hbm>>
    tpu.wait_indirect_dma semaphore(%arg7 : memref<!tpu.dma_semaphore, #tpu.memory_space<semaphore_mem>>) src(%dma_wait3A_10 : memref<65536x72xf32, #tpu.memory_space<hbm>>) dst(%arg6 : memref<512x72xf32, #tpu.memory_space<vmem>>)
    "tpu.region"() ({
      %run_scoped3A = tpu.sem_alloc : memref<!tpu.dma_semaphore, #tpu.memory_space<semaphore_mem>>
      %dma_start3A_12 = arith.constant 0 : i32
      %dma_start3A_13 = tpu.memref_slice %arg4[%add3A_6, %dma_start3A_12] : memref<16384x72xf32, #tpu.memory_space<hbm>> -> memref<512x72xf32, #tpu.memory_space<hbm>>
      %dma_start3A_14 = arith.constant 0 : i32
      %dma_start3A_15 = tpu.memref_slice %arg4[%add3A_6, %dma_start3A_14] : memref<16384x72xf32, #tpu.memory_space<hbm>> -> memref<512x72xf32, #tpu.memory_space<hbm>>
      tpu.enqueue_dma source(%arg6 : memref<512x72xf32, #tpu.memory_space<vmem>>) target(%dma_start3A_15 : memref<512x72xf32, #tpu.memory_space<hbm>>) target_semaphore(%run_scoped3A : memref<!tpu.dma_semaphore, #tpu.memory_space<semaphore_mem>>)
      %dma_wait3A_16 = arith.constant 0 : i32
      %dma_wait3A_17 = tpu.memref_slice %arg4[%add3A_6, %dma_wait3A_16] : memref<16384x72xf32, #tpu.memory_space<hbm>> -> memref<512x72xf32, #tpu.memory_space<hbm>>
      %dma_wait3A_18 = arith.constant 0 : i32
      %dma_wait3A_19 = tpu.memref_slice %arg4[%add3A_6, %dma_wait3A_18] : memref<16384x72xf32, #tpu.memory_space<hbm>> -> memref<512x72xf32, #tpu.memory_space<hbm>>
      tpu.wait_dma2 semaphore(%run_scoped3A : memref<!tpu.dma_semaphore, #tpu.memory_space<semaphore_mem>>) src(%arg6 : memref<512x72xf32, #tpu.memory_space<vmem>>) dst(%dma_wait3A_19 : memref<512x72xf32, #tpu.memory_space<hbm>>)
      tpu.yield
    }) : () -> ()
    %scan3A_11 = arith.constant 1 : i32
    return
  }
}

module attributes {stable_mosaic.version = 14 : i64} {
  func.func @_fps_body(%arg0: i32, %arg1: memref<16x3x4096xf32, #tpu.memory_space<vmem>>, %arg2: memref<16x1xi32, #tpu.memory_space<vmem>>, %arg3: memref<1024x16xi32, #tpu.memory_space<vmem>>) attributes {dimension_semantics = [#tpu.dimension_semantics<arbitrary>], iteration_bounds = array<i64: 1>, scalar_prefetch = 0 : i64, scratch_operands = 0 : i64, tpu.core_type = #tpu.core_type<tc>, window_params = [{pipeline_mode = #tpu.pipeline_mode<synchronous>, transform_indices = @transform_0, window_bounds = array<i64: 16, 3, 4096>}, {pipeline_mode = #tpu.pipeline_mode<synchronous>, transform_indices = @transform_1, window_bounds = array<i64: 16, 1>}, {pipeline_mode = #tpu.pipeline_mode<synchronous>, transform_indices = @transform_2, window_bounds = array<i64: 1024, 16>}]} {
    %get3A = arith.constant 0 : index
    %get3A_0 = arith.constant 0 : index
    %get3A_1 = arith.constant 0 : index
    %get3A_2 = vector.load %arg1[%get3A, %get3A_0, %get3A_1] : memref<16x3x4096xf32, #tpu.memory_space<vmem>>, vector<16x3x4096xf32>
    %iota3A = tpu.iota {dimensions = array<i32: 1>} : vector<16x4096xi32>
    %iota3A_3 = tpu.iota {dimensions = array<i32: 1>} : vector<1x16xi32>
    %mul3A = arith.constant 4096 : i32
    %mul3A_4 = vector.broadcast %mul3A : i32 to vector<1x16xi32>
    %mul3A_5 = arith.muli %iota3A_3, %mul3A_4 : vector<1x16xi32>
    %broadcast_in_dim3A = arith.constant 0x7F800000 : f32
    %broadcast_in_dim3A_6 = vector.broadcast %broadcast_in_dim3A : f32 to vector<16x4096xf32>
    %get3A_7 = arith.constant 0 : index
    %get3A_8 = arith.constant 0 : index
    %get3A_9 = vector.load %arg2[%get3A_7, %get3A_8] : memref<16x1xi32, #tpu.memory_space<vmem>>, vector<16x1xi32>
    %scan3A = arith.constant 1073741824 : i32
    %scan3A_10 = arith.constant 0 : i32
    %scan3A_11 = arith.constant 1024 : i32
    %scan3A_12 = arith.addi %scan3A_10, %scan3A_11 : i32
    %scan3A_13 = arith.constant 1 : i32
    %scan3A_14:2 = scf.for %scan3A_16 = %scan3A_10 to %scan3A_12 step %scan3A_13 iter_args(%scan3A_17 = %broadcast_in_dim3A_6, %scan3A_18 = %get3A_9) -> (vector<16x4096xf32>, vector<16x1xi32>)  : i32 {
      %reshape3A = vector.shape_cast %scan3A_18 : vector<16x1xi32> to vector<1x16xi32>
      %add3A = arith.addi %reshape3A, %mul3A_5 : vector<1x16xi32>
      %swap3A = arith.index_cast %scan3A_16 : i32 to index
      %swap3A_19 = arith.constant 0 : index
      %swap3A_20 = vector.load %arg3[%swap3A, %swap3A_19] : memref<1024x16xi32, #tpu.memory_space<vmem>>, vector<1x16xi32>
      tpu.vector_store %arg3[%swap3A, %swap3A_19], %add3A {strides = array<i32>} : memref<1024x16xi32, #tpu.memory_space<vmem>>, vector<1x16xi32>,
      %eq3A = vector.broadcast %scan3A_18 : vector<16x1xi32> to vector<16x4096xi32>
      %eq3A_21 = arith.cmpi eq, %iota3A, %eq3A : vector<16x4096xi32>
      %convert_element_type3A = arith.extui %eq3A_21 : vector<16x4096xi1> to vector<16x4096xi32>
      %convert_element_type3A_22 = arith.sitofp %convert_element_type3A : vector<16x4096xi32> to vector<16x4096xf32>
      %slice3A = vector.extract_strided_slice %get3A_2 {offsets = [0, 0, 0], sizes = [16, 1, 4096], strides = [1, 1, 1]} : vector<16x3x4096xf32> to vector<16x1x4096xf32>
      %squeeze3A = vector.shape_cast %slice3A : vector<16x1x4096xf32> to vector<16x4096xf32>
      %mul3A_23 = arith.mulf %convert_element_type3A_22, %squeeze3A : vector<16x4096xf32>
      %reduce_sum3A = arith.constant dense<0.000000e+00> : vector<16xf32>
      %reduce_sum3A_24 = vector.multi_reduction <add>, %mul3A_23, %reduce_sum3A [1] : vector<16x4096xf32> to vector<16xf32>
      %broadcast_in_dim3A_25 = vector.shape_cast %reduce_sum3A_24 : vector<16xf32> to vector<16x1xf32>
      %broadcast_in_dim3A_26 = vector.shape_cast %broadcast_in_dim3A_25 : vector<16x1xf32> to vector<16x1x1xf32>
      %slice3A_27 = vector.extract_strided_slice %get3A_2 {offsets = [0, 1, 0], sizes = [16, 1, 4096], strides = [1, 1, 1]} : vector<16x3x4096xf32> to vector<16x1x4096xf32>
      %squeeze3A_28 = vector.shape_cast %slice3A_27 : vector<16x1x4096xf32> to vector<16x4096xf32>
      %mul3A_29 = arith.mulf %convert_element_type3A_22, %squeeze3A_28 : vector<16x4096xf32>
      %reduce_sum3A_30 = arith.constant dense<0.000000e+00> : vector<16xf32>
      %reduce_sum3A_31 = vector.multi_reduction <add>, %mul3A_29, %reduce_sum3A_30 [1] : vector<16x4096xf32> to vector<16xf32>
      %broadcast_in_dim3A_32 = vector.shape_cast %reduce_sum3A_31 : vector<16xf32> to vector<16x1xf32>
      %broadcast_in_dim3A_33 = vector.shape_cast %broadcast_in_dim3A_32 : vector<16x1xf32> to vector<16x1x1xf32>
      %slice3A_34 = vector.extract_strided_slice %get3A_2 {offsets = [0, 2, 0], sizes = [16, 1, 4096], strides = [1, 1, 1]} : vector<16x3x4096xf32> to vector<16x1x4096xf32>
      %squeeze3A_35 = vector.shape_cast %slice3A_34 : vector<16x1x4096xf32> to vector<16x4096xf32>
      %mul3A_36 = arith.mulf %convert_element_type3A_22, %squeeze3A_35 : vector<16x4096xf32>
      %reduce_sum3A_37 = arith.constant dense<0.000000e+00> : vector<16xf32>
      %reduce_sum3A_38 = vector.multi_reduction <add>, %mul3A_36, %reduce_sum3A_37 [1] : vector<16x4096xf32> to vector<16xf32>
      %broadcast_in_dim3A_39 = vector.shape_cast %reduce_sum3A_38 : vector<16xf32> to vector<16x1xf32>
      %broadcast_in_dim3A_40 = vector.shape_cast %broadcast_in_dim3A_39 : vector<16x1xf32> to vector<16x1x1xf32>
      %concatenate3A = tpu.concatenate %broadcast_in_dim3A_26, %broadcast_in_dim3A_33, %broadcast_in_dim3A_40 in 1 : vector<16x1x1xf32>, vector<16x1x1xf32>, vector<16x1x1xf32> -> vector<16x3x1xf32>
      %sub3A = vector.broadcast %concatenate3A : vector<16x3x1xf32> to vector<16x3x4096xf32>
      %sub3A_41 = arith.subf %get3A_2, %sub3A : vector<16x3x4096xf32>
      %mul3A_42 = arith.mulf %sub3A_41, %sub3A_41 : vector<16x3x4096xf32>
      %reduce_sum3A_43 = arith.constant dense<0.000000e+00> : vector<16x4096xf32>
      %reduce_sum3A_44 = vector.multi_reduction <add>, %mul3A_42, %reduce_sum3A_43 [1] : vector<16x3x4096xf32> to vector<16x4096xf32>
      %min3A = arith.minimumf %scan3A_17, %reduce_sum3A_44 : vector<16x4096xf32>
      %reduce_max3A = arith.constant dense<0xFF800000> : vector<16xf32>
      %reduce_max3A_45 = vector.multi_reduction <maximumf>, %min3A, %reduce_max3A [1] : vector<16x4096xf32> to vector<16xf32>
      %broadcast_in_dim3A_46 = vector.shape_cast %reduce_max3A_45 : vector<16xf32> to vector<16x1xf32>
      %eq3A_47 = vector.broadcast %broadcast_in_dim3A_46 : vector<16x1xf32> to vector<16x4096xf32>
      %eq3A_48 = arith.cmpf oeq, %min3A, %eq3A_47 : vector<16x4096xf32>
      %broadcast_in_dim3A_49 = vector.broadcast %scan3A : i32 to vector<16x4096xi32>
      %select_n3A = arith.select %eq3A_48, %iota3A, %broadcast_in_dim3A_49 : vector<16x4096xi1>, vector<16x4096xi32>
      %reduce_min3A = arith.constant dense<2147483647> : vector<16xi32>
      %reduce_min3A_50 = vector.multi_reduction <minsi>, %select_n3A, %reduce_min3A [1] : vector<16x4096xi32> to vector<16xi32>
      %broadcast_in_dim3A_51 = vector.shape_cast %reduce_min3A_50 : vector<16xi32> to vector<16x1xi32>
      scf.yield %min3A, %broadcast_in_dim3A_51 : vector<16x4096xf32>, vector<16x1xi32>
    }
    %scan3A_15 = arith.constant 1024 : i32
    return
  }
  func.func @transform_0(%arg0: i32) -> (i32, i32, i32) {
    %c0_i32 = arith.constant 0 : i32
    %c0_i32_0 = arith.constant 0 : i32
    %c0_i32_1 = arith.constant 0 : i32
    %c0_i32_2 = arith.constant 0 : i32
    return %c0_i32, %c0_i32_0, %c0_i32_1 : i32, i32, i32
  }
  func.func @transform_1(%arg0: i32) -> (i32, i32) {
    %c0_i32 = arith.constant 0 : i32
    %c0_i32_0 = arith.constant 0 : i32
    %c0_i32_1 = arith.constant 0 : i32
    return %c0_i32, %c0_i32_0 : i32, i32
  }
  func.func @transform_2(%arg0: i32) -> (i32, i32) {
    %c0_i32 = arith.constant 0 : i32
    %c0_i32_0 = arith.constant 0 : i32
    %c0_i32_1 = arith.constant 0 : i32
    return %c0_i32, %c0_i32_0 : i32, i32
  }
}

module attributes {stable_mosaic.version = 14 : i64} {
  func.func @_topk_body(%arg0: i32, %arg1: i32, %arg2: memref<256x3xf32, #tpu.memory_space<vmem>>, %arg3: memref<1x3x4096xf32, #tpu.memory_space<vmem>>, %arg4: memref<256x32xi32, #tpu.memory_space<vmem>>) attributes {dimension_semantics = [#tpu.dimension_semantics<arbitrary>, #tpu.dimension_semantics<arbitrary>], iteration_bounds = array<i64: 16, 4>, scalar_prefetch = 0 : i64, scratch_operands = 0 : i64, tpu.core_type = #tpu.core_type<tc>, window_params = [{transform_indices = @transform_0, window_bounds = array<i64: 256, 3>}, {transform_indices = @transform_1, window_bounds = array<i64: 1, 3, 4096>}, {transform_indices = @transform_2, window_bounds = array<i64: 256, 32>}]} {
    %get3A = arith.constant 0 : index
    %get3A_0 = arith.constant 0 : index
    %get3A_1 = arith.constant 0 : index
    %get3A_2 = vector.load %arg3[%get3A, %get3A_0, %get3A_1] : memref<1x3x4096xf32, #tpu.memory_space<vmem>>, vector<1x3x4096xf32>
    %get3A_3 = vector.shape_cast %get3A_2 : vector<1x3x4096xf32> to vector<3x4096xf32>
    %get3A_4 = arith.constant 0 : index
    %get3A_5 = arith.constant 0 : index
    %get3A_6 = vector.load %arg2[%get3A_4, %get3A_5] : memref<256x3xf32, #tpu.memory_space<vmem>>, vector<256x3xf32>
    %mul3A = arith.mulf %get3A_3, %get3A_3 : vector<3x4096xf32>
    %reduce_sum3A = arith.constant dense<0.000000e+00> : vector<4096xf32>
    %reduce_sum3A_7 = vector.multi_reduction <add>, %mul3A, %reduce_sum3A [0] : vector<3x4096xf32> to vector<4096xf32>
    %broadcast_in_dim3A = vector.shape_cast %reduce_sum3A_7 : vector<4096xf32> to vector<1x4096xf32>
    %mul3A_8 = arith.mulf %get3A_6, %get3A_6 : vector<256x3xf32>
    %reduce_sum3A_9 = arith.constant dense<0.000000e+00> : vector<256xf32>
    %reduce_sum3A_10 = vector.multi_reduction <add>, %mul3A_8, %reduce_sum3A_9 [1] : vector<256x3xf32> to vector<256xf32>
    %broadcast_in_dim3A_11 = vector.shape_cast %reduce_sum3A_10 : vector<256xf32> to vector<256x1xf32>
    %dot_general3A = arith.constant dense<0.000000e+00> : vector<256x4096xf32>
    %dot_general3A_12 = tpu.matmul %get3A_6, %get3A_3, %dot_general3A {dimension_numbers = #tpu.dot_dimension_numbers<[1], [0], [0], [1], [0, 0, 1, 1], [], []>, transpose_lhs_hint = false} : vector<256x3xf32>, vector<3x4096xf32>, vector<256x4096xf32> -> vector<256x4096xf32>
    %add3A = vector.broadcast %broadcast_in_dim3A_11 : vector<256x1xf32> to vector<256x4096xf32>
    %add3A_13 = vector.broadcast %broadcast_in_dim3A : vector<1x4096xf32> to vector<256x4096xf32>
    %add3A_14 = arith.addf %add3A, %add3A_13 : vector<256x4096xf32>
    %mul3A_15 = arith.constant 2.000000e+00 : f32
    %mul3A_16 = vector.broadcast %mul3A_15 : f32 to vector<256x4096xf32>
    %mul3A_17 = arith.mulf %mul3A_16, %dot_general3A_12 : vector<256x4096xf32>
    %sub3A = arith.subf %add3A_14, %mul3A_17 : vector<256x4096xf32>
    %max3A = arith.constant 0.000000e+00 : f32
    %max3A_18 = vector.broadcast %max3A : f32 to vector<256x4096xf32>
    %max3A_19 = arith.maximumf %sub3A, %max3A_18 : vector<256x4096xf32>
    %le3A = arith.constant 4.000000e-02 : f32
    %le3A_20 = vector.broadcast %le3A : f32 to vector<256x4096xf32>
    %le3A_21 = arith.cmpf ole, %max3A_19, %le3A_20 : vector<256x4096xf32>
    %jit3A = arith.constant 1.000000e+30 : f32
    %broadcast_in_dim3A_22 = vector.broadcast %jit3A : f32 to vector<256x4096xf32>
    %select_n3A = arith.select %le3A_21, %max3A_19, %broadcast_in_dim3A_22 : vector<256x4096xi1>, vector<256x4096xf32>
    %iota3A = tpu.iota {dimensions = array<i32: 1>} : vector<256x4096xi32>
    %iota3A_23 = tpu.iota {dimensions = array<i32: 1>} : vector<256x32xi32>
    %broadcast_in_dim3A_24 = arith.constant 0 : i32
    %broadcast_in_dim3A_25 = vector.broadcast %broadcast_in_dim3A_24 : i32 to vector<256x32xi32>
    %broadcast_in_dim3A_26 = arith.constant -1 : i32
    %broadcast_in_dim3A_27 = vector.broadcast %broadcast_in_dim3A_26 : i32 to vector<256x1xi32>
    %scan3A = arith.constant 1073741824 : i32
    %scan3A_28 = arith.constant 0 : i32
    %scan3A_29 = arith.constant 32 : i32
    %scan3A_30 = arith.addi %scan3A_28, %scan3A_29 : i32
    %scan3A_31 = arith.constant 1 : i32
    %scan3A_32:3 = scf.for %scan3A_40 = %scan3A_28 to %scan3A_30 step %scan3A_31 iter_args(%scan3A_41 = %select_n3A, %scan3A_42 = %broadcast_in_dim3A_25, %scan3A_43 = %broadcast_in_dim3A_27) -> (vector<256x4096xf32>, vector<256x32xi32>, vector<256x1xi32>)  : i32 {
      %eq3A = vector.broadcast %scan3A_43 : vector<256x1xi32> to vector<256x4096xi32>
      %eq3A_44 = arith.cmpi eq, %iota3A, %eq3A : vector<256x4096xi32>
      %jit3A_45 = arith.constant 1.000000e+31 : f32
      %broadcast_in_dim3A_46 = vector.broadcast %jit3A_45 : f32 to vector<256x4096xf32>
      %select_n3A_47 = arith.select %eq3A_44, %broadcast_in_dim3A_46, %scan3A_41 : vector<256x4096xi1>, vector<256x4096xf32>
      %reduce_min3A = arith.constant dense<0x7F800000> : vector<256xf32>
      %reduce_min3A_48 = vector.multi_reduction <minimumf>, %select_n3A_47, %reduce_min3A [1] : vector<256x4096xf32> to vector<256xf32>
      %broadcast_in_dim3A_49 = vector.shape_cast %reduce_min3A_48 : vector<256xf32> to vector<256x1xf32>
      %eq3A_50 = vector.broadcast %broadcast_in_dim3A_49 : vector<256x1xf32> to vector<256x4096xf32>
      %eq3A_51 = arith.cmpf oeq, %select_n3A_47, %eq3A_50 : vector<256x4096xf32>
      %broadcast_in_dim3A_52 = vector.broadcast %scan3A : i32 to vector<256x4096xi32>
      %select_n3A_53 = arith.select %eq3A_51, %iota3A, %broadcast_in_dim3A_52 : vector<256x4096xi1>, vector<256x4096xi32>
      %reduce_min3A_54 = arith.constant dense<2147483647> : vector<256xi32>
      %reduce_min3A_55 = vector.multi_reduction <minsi>, %select_n3A_53, %reduce_min3A_54 [1] : vector<256x4096xi32> to vector<256xi32>
      %broadcast_in_dim3A_56 = vector.shape_cast %reduce_min3A_55 : vector<256xi32> to vector<256x1xi32>
      %eq3A_57 = vector.broadcast %scan3A_40 : i32 to vector<256x32xi32>
      %eq3A_58 = arith.cmpi eq, %iota3A_23, %eq3A_57 : vector<256x32xi32>
      %broadcast_in_dim3A_59 = vector.shape_cast %broadcast_in_dim3A_56 : vector<256x1xi32> to vector<256x1xi32>
      %broadcast_in_dim3A_60 = vector.broadcast %broadcast_in_dim3A_59 : vector<256x1xi32> to vector<256x32xi32>
      %select_n3A_61 = arith.select %eq3A_58, %broadcast_in_dim3A_60, %scan3A_42 : vector<256x32xi1>, vector<256x32xi32>
      scf.yield %select_n3A_47, %select_n3A_61, %broadcast_in_dim3A_56 : vector<256x4096xf32>, vector<256x32xi32>, vector<256x1xi32>
    }
    %scan3A_33 = arith.constant 32 : i32
    %mul3A_34 = arith.constant 4096 : i32
    %mul3A_35 = arith.muli %arg0, %mul3A_34 : i32
    %add3A_36 = vector.broadcast %mul3A_35 : i32 to vector<256x32xi32>
    %add3A_37 = arith.addi %scan3A_32#1, %add3A_36 : vector<256x32xi32>
    %swap3A = arith.constant 0 : index
    %swap3A_38 = arith.constant 0 : index
    %swap3A_39 = vector.load %arg4[%swap3A, %swap3A_38] : memref<256x32xi32, #tpu.memory_space<vmem>>, vector<256x32xi32>
    tpu.vector_store %arg4[%swap3A, %swap3A_38], %add3A_37 {strides = array<i32>} : memref<256x32xi32, #tpu.memory_space<vmem>>, vector<256x32xi32>,
    return
  }
  func.func @transform_0(%arg0: i32, %arg1: i32) -> (i32, i32) {
    %mul3A = arith.constant 4 : i32
    %mul3A_0 = arith.muli %arg0, %mul3A : i32
    %add3A = arith.addi %mul3A_0, %arg1 : i32
    %c0_i32 = arith.constant 0 : i32
    %c0_i32_1 = arith.constant 0 : i32
    return %add3A, %c0_i32 : i32, i32
  }
  func.func @transform_1(%arg0: i32, %arg1: i32) -> (i32, i32, i32) {
    %c0_i32 = arith.constant 0 : i32
    %c0_i32_0 = arith.constant 0 : i32
    %c0_i32_1 = arith.constant 0 : i32
    return %arg0, %c0_i32, %c0_i32_0 : i32, i32, i32
  }
  func.func @transform_2(%arg0: i32, %arg1: i32) -> (i32, i32) {
    %mul3A = arith.constant 4 : i32
    %mul3A_0 = arith.muli %arg0, %mul3A : i32
    %add3A = arith.addi %mul3A_0, %arg1 : i32
    %c0_i32 = arith.constant 0 : i32
    %c0_i32_1 = arith.constant 0 : i32
    return %add3A, %c0_i32 : i32, i32
  }
}

module attributes {stable_mosaic.version = 14 : i64} {
  func.func @_p1_kernel(%arg0: i32, %arg1: memref<8192x72xf32, #tpu.memory_space<vmem>>, %arg2: memref<256x3xf32, #tpu.memory_space<vmem>>, %arg3: memref<72x64xf32, #tpu.memory_space<vmem>>, %arg4: memref<1x64xf32, #tpu.memory_space<vmem>>, %arg5: memref<1x64xf32, #tpu.memory_space<vmem>>, %arg6: memref<1x64xf32, #tpu.memory_space<vmem>>) attributes {dimension_semantics = [#tpu.dimension_semantics<arbitrary>], iteration_bounds = array<i64: 64>, scalar_prefetch = 0 : i64, scratch_operands = 0 : i64, tpu.core_type = #tpu.core_type<tc>, window_params = [{transform_indices = @transform_0, window_bounds = array<i64: 8192, 72>}, {transform_indices = @transform_1, window_bounds = array<i64: 256, 3>}, {pipeline_mode = #tpu.pipeline_mode<synchronous>, transform_indices = @transform_2, window_bounds = array<i64: 72, 64>}, {pipeline_mode = #tpu.pipeline_mode<synchronous>, transform_indices = @transform_3, window_bounds = array<i64: 1, 64>}, {pipeline_mode = #tpu.pipeline_mode<synchronous>, transform_indices = @transform_4, window_bounds = array<i64: 1, 64>}, {pipeline_mode = #tpu.pipeline_mode<synchronous>, transform_indices = @transform_5, window_bounds = array<i64: 1, 64>}]} {
    %get3A = arith.constant 0 : index
    %get3A_0 = arith.constant 0 : index
    %get3A_1 = vector.load %arg1[%get3A, %get3A_0] : memref<8192x72xf32, #tpu.memory_space<vmem>>, vector<8192x72xf32>
    %get3A_2 = arith.constant 0 : index
    %get3A_3 = arith.constant 0 : index
    %get3A_4 = vector.load %arg3[%get3A_2, %get3A_3] : memref<72x64xf32, #tpu.memory_space<vmem>>, vector<72x64xf32>
    %dot_general3A = arith.constant dense<0.000000e+00> : vector<8192x64xf32>
    %dot_general3A_5 = tpu.matmul %get3A_1, %get3A_4, %dot_general3A {dimension_numbers = #tpu.dot_dimension_numbers<[1], [0], [0], [1], [0, 0, 1, 1], [], []>, transpose_lhs_hint = false} : vector<8192x72xf32>, vector<72x64xf32>, vector<8192x64xf32> -> vector<8192x64xf32>
    %get3A_6 = arith.constant 0 : index
    %get3A_7 = arith.constant 0 : index
    %get3A_8 = vector.load %arg4[%get3A_6, %get3A_7] : memref<1x64xf32, #tpu.memory_space<vmem>>, vector<1x64xf32>
    %add3A = vector.broadcast %get3A_8 : vector<1x64xf32> to vector<8192x64xf32>
    %add3A_9 = arith.addf %dot_general3A_5, %add3A : vector<8192x64xf32>
    %get3A_10 = arith.constant 0 : index
    %get3A_11 = arith.constant 0 : index
    %get3A_12 = vector.load %arg2[%get3A_10, %get3A_11] : memref<256x3xf32, #tpu.memory_space<vmem>>, vector<256x3xf32>
    %get3A_13 = arith.constant 0 : index
    %get3A_14 = arith.constant 0 : index
    %get3A_15 = vector.load %arg3[%get3A_13, %get3A_14] : memref<72x64xf32, #tpu.memory_space<vmem>>, vector<3x64xf32>
    %dot_general3A_16 = arith.constant dense<0.000000e+00> : vector<256x64xf32>
    %dot_general3A_17 = tpu.matmul %get3A_12, %get3A_15, %dot_general3A_16 {dimension_numbers = #tpu.dot_dimension_numbers<[1], [0], [0], [1], [0, 0, 1, 1], [], []>, transpose_lhs_hint = false} : vector<256x3xf32>, vector<3x64xf32>, vector<256x64xf32> -> vector<256x64xf32>
    %reshape3A = vector.shape_cast %add3A_9 : vector<8192x64xf32> to vector<256x32x64xf32>
    %broadcast_in_dim3A = vector.shape_cast %dot_general3A_17 : vector<256x64xf32> to vector<256x1x64xf32>
    %sub3A = vector.broadcast %broadcast_in_dim3A : vector<256x1x64xf32> to vector<256x32x64xf32>
    %sub3A_18 = arith.subf %reshape3A, %sub3A : vector<256x32x64xf32>
    %reshape3A_19 = vector.shape_cast %sub3A_18 : vector<256x32x64xf32> to vector<8192x64xf32>
    %reduce_sum3A = arith.constant dense<0.000000e+00> : vector<64xf32>
    %reduce_sum3A_20 = vector.multi_reduction <add>, %reshape3A_19, %reduce_sum3A [0] : vector<8192x64xf32> to vector<64xf32>
    %broadcast_in_dim3A_21 = vector.shape_cast %reduce_sum3A_20 : vector<64xf32> to vector<1x64xf32>
    %mul3A = arith.mulf %reshape3A_19, %reshape3A_19 : vector<8192x64xf32>
    %reduce_sum3A_22 = arith.constant dense<0.000000e+00> : vector<64xf32>
    %reduce_sum3A_23 = vector.multi_reduction <add>, %mul3A, %reduce_sum3A_22 [0] : vector<8192x64xf32> to vector<64xf32>
    %broadcast_in_dim3A_24 = vector.shape_cast %reduce_sum3A_23 : vector<64xf32> to vector<1x64xf32>
    %eq3A = arith.constant 0 : i32
    %eq3A_25 = arith.cmpi eq, %arg0, %eq3A : i32
    %convert_element_type3A = arith.extui %eq3A_25 : i1 to i32
    %cond3A = arith.constant 0 : i32
    %cond3A_26 = arith.cmpi ne, %convert_element_type3A, %cond3A : i32
    scf.if %cond3A_26 {
      %broadcast_in_dim3A_40 = arith.constant 0.000000e+00 : f32
      %broadcast_in_dim3A_41 = vector.broadcast %broadcast_in_dim3A_40 : f32 to vector<1x64xf32>
      %swap3A_42 = arith.constant 0 : index
      %swap3A_43 = arith.constant 0 : index
      %swap3A_44 = vector.load %arg5[%swap3A_42, %swap3A_43] : memref<1x64xf32, #tpu.memory_space<vmem>>, vector<1x64xf32>
      tpu.vector_store %arg5[%swap3A_42, %swap3A_43], %broadcast_in_dim3A_41 {strides = array<i32>} : memref<1x64xf32, #tpu.memory_space<vmem>>, vector<1x64xf32>,
      %broadcast_in_dim3A_45 = arith.constant 0.000000e+00 : f32
      %broadcast_in_dim3A_46 = vector.broadcast %broadcast_in_dim3A_45 : f32 to vector<1x64xf32>
      %swap3A_47 = arith.constant 0 : index
      %swap3A_48 = arith.constant 0 : index
      %swap3A_49 = vector.load %arg6[%swap3A_47, %swap3A_48] : memref<1x64xf32, #tpu.memory_space<vmem>>, vector<1x64xf32>
      tpu.vector_store %arg6[%swap3A_47, %swap3A_48], %broadcast_in_dim3A_46 {strides = array<i32>} : memref<1x64xf32, #tpu.memory_space<vmem>>, vector<1x64xf32>,
    } else {
    }
    %get3A_27 = arith.constant 0 : index
    %get3A_28 = arith.constant 0 : index
    %get3A_29 = vector.load %arg5[%get3A_27, %get3A_28] : memref<1x64xf32, #tpu.memory_space<vmem>>, vector<1x64xf32>
    %add3A_30 = arith.addf %get3A_29, %broadcast_in_dim3A_21 : vector<1x64xf32>
    %swap3A = arith.constant 0 : index
    %swap3A_31 = arith.constant 0 : index
    %swap3A_32 = vector.load %arg5[%swap3A, %swap3A_31] : memref<1x64xf32, #tpu.memory_space<vmem>>, vector<1x64xf32>
    tpu.vector_store %arg5[%swap3A, %swap3A_31], %add3A_30 {strides = array<i32>} : memref<1x64xf32, #tpu.memory_space<vmem>>, vector<1x64xf32>,
    %get3A_33 = arith.constant 0 : index
    %get3A_34 = arith.constant 0 : index
    %get3A_35 = vector.load %arg6[%get3A_33, %get3A_34] : memref<1x64xf32, #tpu.memory_space<vmem>>, vector<1x64xf32>
    %add3A_36 = arith.addf %get3A_35, %broadcast_in_dim3A_24 : vector<1x64xf32>
    %swap3A_37 = arith.constant 0 : index
    %swap3A_38 = arith.constant 0 : index
    %swap3A_39 = vector.load %arg6[%swap3A_37, %swap3A_38] : memref<1x64xf32, #tpu.memory_space<vmem>>, vector<1x64xf32>
    tpu.vector_store %arg6[%swap3A_37, %swap3A_38], %add3A_36 {strides = array<i32>} : memref<1x64xf32, #tpu.memory_space<vmem>>, vector<1x64xf32>,
    return
  }
  func.func @transform_0(%arg0: i32) -> (i32, i32) {
    %c0_i32 = arith.constant 0 : i32
    %c0_i32_0 = arith.constant 0 : i32
    return %arg0, %c0_i32 : i32, i32
  }
  func.func @transform_1(%arg0: i32) -> (i32, i32) {
    %c0_i32 = arith.constant 0 : i32
    %c0_i32_0 = arith.constant 0 : i32
    return %arg0, %c0_i32 : i32, i32
  }
  func.func @transform_2(%arg0: i32) -> (i32, i32) {
    %c0_i32 = arith.constant 0 : i32
    %c0_i32_0 = arith.constant 0 : i32
    %c0_i32_1 = arith.constant 0 : i32
    return %c0_i32, %c0_i32_0 : i32, i32
  }
  func.func @transform_3(%arg0: i32) -> (i32, i32) {
    %c0_i32 = arith.constant 0 : i32
    %c0_i32_0 = arith.constant 0 : i32
    %c0_i32_1 = arith.constant 0 : i32
    return %c0_i32, %c0_i32_0 : i32, i32
  }
  func.func @transform_4(%arg0: i32) -> (i32, i32) {
    %c0_i32 = arith.constant 0 : i32
    %c0_i32_0 = arith.constant 0 : i32
    %c0_i32_1 = arith.constant 0 : i32
    return %c0_i32, %c0_i32_0 : i32, i32
  }
  func.func @transform_5(%arg0: i32) -> (i32, i32) {
    %c0_i32 = arith.constant 0 : i32
    %c0_i32_0 = arith.constant 0 : i32
    %c0_i32_1 = arith.constant 0 : i32
    return %c0_i32, %c0_i32_0 : i32, i32
  }
}

module attributes {stable_mosaic.version = 14 : i64} {
  func.func @_p2_kernel(%arg0: i32, %arg1: memref<8192x72xf32, #tpu.memory_space<vmem>>, %arg2: memref<256x3xf32, #tpu.memory_space<vmem>>, %arg3: memref<72x64xf32, #tpu.memory_space<vmem>>, %arg4: memref<1x64xf32, #tpu.memory_space<vmem>>, %arg5: memref<1x64xf32, #tpu.memory_space<vmem>>, %arg6: memref<1x64xf32, #tpu.memory_space<vmem>>, %arg7: memref<64x64xf32, #tpu.memory_space<vmem>>, %arg8: memref<1x64xf32, #tpu.memory_space<vmem>>, %arg9: memref<1x64xf32, #tpu.memory_space<vmem>>, %arg10: memref<1x64xf32, #tpu.memory_space<vmem>>) attributes {dimension_semantics = [#tpu.dimension_semantics<arbitrary>], iteration_bounds = array<i64: 64>, scalar_prefetch = 0 : i64, scratch_operands = 0 : i64, tpu.core_type = #tpu.core_type<tc>, window_params = [{transform_indices = @transform_0, window_bounds = array<i64: 8192, 72>}, {transform_indices = @transform_1, window_bounds = array<i64: 256, 3>}, {pipeline_mode = #tpu.pipeline_mode<synchronous>, transform_indices = @transform_2, window_bounds = array<i64: 72, 64>}, {pipeline_mode = #tpu.pipeline_mode<synchronous>, transform_indices = @transform_3, window_bounds = array<i64: 1, 64>}, {pipeline_mode = #tpu.pipeline_mode<synchronous>, transform_indices = @transform_4, window_bounds = array<i64: 1, 64>}, {pipeline_mode = #tpu.pipeline_mode<synchronous>, transform_indices = @transform_5, window_bounds = array<i64: 1, 64>}, {pipeline_mode = #tpu.pipeline_mode<synchronous>, transform_indices = @transform_6, window_bounds = array<i64: 64, 64>}, {pipeline_mode = #tpu.pipeline_mode<synchronous>, transform_indices = @transform_7, window_bounds = array<i64: 1, 64>}, {pipeline_mode = #tpu.pipeline_mode<synchronous>, transform_indices = @transform_8, window_bounds = array<i64: 1, 64>}, {pipeline_mode = #tpu.pipeline_mode<synchronous>, transform_indices = @transform_9, window_bounds = array<i64: 1, 64>}]} {
    %get3A = arith.constant 0 : index
    %get3A_0 = arith.constant 0 : index
    %get3A_1 = vector.load %arg1[%get3A, %get3A_0] : memref<8192x72xf32, #tpu.memory_space<vmem>>, vector<8192x72xf32>
    %get3A_2 = arith.constant 0 : index
    %get3A_3 = arith.constant 0 : index
    %get3A_4 = vector.load %arg3[%get3A_2, %get3A_3] : memref<72x64xf32, #tpu.memory_space<vmem>>, vector<72x64xf32>
    %dot_general3A = arith.constant dense<0.000000e+00> : vector<8192x64xf32>
    %dot_general3A_5 = tpu.matmul %get3A_1, %get3A_4, %dot_general3A {dimension_numbers = #tpu.dot_dimension_numbers<[1], [0], [0], [1], [0, 0, 1, 1], [], []>, transpose_lhs_hint = false} : vector<8192x72xf32>, vector<72x64xf32>, vector<8192x64xf32> -> vector<8192x64xf32>
    %get3A_6 = arith.constant 0 : index
    %get3A_7 = arith.constant 0 : index
    %get3A_8 = vector.load %arg4[%get3A_6, %get3A_7] : memref<1x64xf32, #tpu.memory_space<vmem>>, vector<1x64xf32>
    %add3A = vector.broadcast %get3A_8 : vector<1x64xf32> to vector<8192x64xf32>
    %add3A_9 = arith.addf %dot_general3A_5, %add3A : vector<8192x64xf32>
    %get3A_10 = arith.constant 0 : index
    %get3A_11 = arith.constant 0 : index
    %get3A_12 = vector.load %arg2[%get3A_10, %get3A_11] : memref<256x3xf32, #tpu.memory_space<vmem>>, vector<256x3xf32>
    %get3A_13 = arith.constant 0 : index
    %get3A_14 = arith.constant 0 : index
    %get3A_15 = vector.load %arg3[%get3A_13, %get3A_14] : memref<72x64xf32, #tpu.memory_space<vmem>>, vector<3x64xf32>
    %dot_general3A_16 = arith.constant dense<0.000000e+00> : vector<256x64xf32>
    %dot_general3A_17 = tpu.matmul %get3A_12, %get3A_15, %dot_general3A_16 {dimension_numbers = #tpu.dot_dimension_numbers<[1], [0], [0], [1], [0, 0, 1, 1], [], []>, transpose_lhs_hint = false} : vector<256x3xf32>, vector<3x64xf32>, vector<256x64xf32> -> vector<256x64xf32>
    %reshape3A = vector.shape_cast %add3A_9 : vector<8192x64xf32> to vector<256x32x64xf32>
    %broadcast_in_dim3A = vector.shape_cast %dot_general3A_17 : vector<256x64xf32> to vector<256x1x64xf32>
    %sub3A = vector.broadcast %broadcast_in_dim3A : vector<256x1x64xf32> to vector<256x32x64xf32>
    %sub3A_18 = arith.subf %reshape3A, %sub3A : vector<256x32x64xf32>
    %reshape3A_19 = vector.shape_cast %sub3A_18 : vector<256x32x64xf32> to vector<8192x64xf32>
    %get3A_20 = arith.constant 0 : index
    %get3A_21 = arith.constant 0 : index
    %get3A_22 = vector.load %arg5[%get3A_20, %get3A_21] : memref<1x64xf32, #tpu.memory_space<vmem>>, vector<1x64xf32>
    %mul3A = vector.broadcast %get3A_22 : vector<1x64xf32> to vector<8192x64xf32>
    %mul3A_23 = arith.mulf %reshape3A_19, %mul3A : vector<8192x64xf32>
    %get3A_24 = arith.constant 0 : index
    %get3A_25 = arith.constant 0 : index
    %get3A_26 = vector.load %arg6[%get3A_24, %get3A_25] : memref<1x64xf32, #tpu.memory_space<vmem>>, vector<1x64xf32>
    %add3A_27 = vector.broadcast %get3A_26 : vector<1x64xf32> to vector<8192x64xf32>
    %add3A_28 = arith.addf %mul3A_23, %add3A_27 : vector<8192x64xf32>
    %max3A = arith.constant 0.000000e+00 : f32
    %max3A_29 = vector.broadcast %max3A : f32 to vector<8192x64xf32>
    %max3A_30 = arith.maximumf %add3A_28, %max3A_29 : vector<8192x64xf32>
    %get3A_31 = arith.constant 0 : index
    %get3A_32 = arith.constant 0 : index
    %get3A_33 = vector.load %arg7[%get3A_31, %get3A_32] : memref<64x64xf32, #tpu.memory_space<vmem>>, vector<64x64xf32>
    %dot_general3A_34 = arith.constant dense<0.000000e+00> : vector<8192x64xf32>
    %dot_general3A_35 = tpu.matmul %max3A_30, %get3A_33, %dot_general3A_34 {dimension_numbers = #tpu.dot_dimension_numbers<[1], [0], [0], [1], [0, 0, 1, 1], [], []>, transpose_lhs_hint = false} : vector<8192x64xf32>, vector<64x64xf32>, vector<8192x64xf32> -> vector<8192x64xf32>
    %get3A_36 = arith.constant 0 : index
    %get3A_37 = arith.constant 0 : index
    %get3A_38 = vector.load %arg8[%get3A_36, %get3A_37] : memref<1x64xf32, #tpu.memory_space<vmem>>, vector<1x64xf32>
    %add3A_39 = vector.broadcast %get3A_38 : vector<1x64xf32> to vector<8192x64xf32>
    %add3A_40 = arith.addf %dot_general3A_35, %add3A_39 : vector<8192x64xf32>
    %reduce_sum3A = arith.constant dense<0.000000e+00> : vector<64xf32>
    %reduce_sum3A_41 = vector.multi_reduction <add>, %add3A_40, %reduce_sum3A [0] : vector<8192x64xf32> to vector<64xf32>
    %broadcast_in_dim3A_42 = vector.shape_cast %reduce_sum3A_41 : vector<64xf32> to vector<1x64xf32>
    %mul3A_43 = arith.mulf %add3A_40, %add3A_40 : vector<8192x64xf32>
    %reduce_sum3A_44 = arith.constant dense<0.000000e+00> : vector<64xf32>
    %reduce_sum3A_45 = vector.multi_reduction <add>, %mul3A_43, %reduce_sum3A_44 [0] : vector<8192x64xf32> to vector<64xf32>
    %broadcast_in_dim3A_46 = vector.shape_cast %reduce_sum3A_45 : vector<64xf32> to vector<1x64xf32>
    %eq3A = arith.constant 0 : i32
    %eq3A_47 = arith.cmpi eq, %arg0, %eq3A : i32
    %convert_element_type3A = arith.extui %eq3A_47 : i1 to i32
    %cond3A = arith.constant 0 : i32
    %cond3A_48 = arith.cmpi ne, %convert_element_type3A, %cond3A : i32
    scf.if %cond3A_48 {
      %broadcast_in_dim3A_62 = arith.constant 0.000000e+00 : f32
      %broadcast_in_dim3A_63 = vector.broadcast %broadcast_in_dim3A_62 : f32 to vector<1x64xf32>
      %swap3A_64 = arith.constant 0 : index
      %swap3A_65 = arith.constant 0 : index
      %swap3A_66 = vector.load %arg9[%swap3A_64, %swap3A_65] : memref<1x64xf32, #tpu.memory_space<vmem>>, vector<1x64xf32>
      tpu.vector_store %arg9[%swap3A_64, %swap3A_65], %broadcast_in_dim3A_63 {strides = array<i32>} : memref<1x64xf32, #tpu.memory_space<vmem>>, vector<1x64xf32>,
      %broadcast_in_dim3A_67 = arith.constant 0.000000e+00 : f32
      %broadcast_in_dim3A_68 = vector.broadcast %broadcast_in_dim3A_67 : f32 to vector<1x64xf32>
      %swap3A_69 = arith.constant 0 : index
      %swap3A_70 = arith.constant 0 : index
      %swap3A_71 = vector.load %arg10[%swap3A_69, %swap3A_70] : memref<1x64xf32, #tpu.memory_space<vmem>>, vector<1x64xf32>
      tpu.vector_store %arg10[%swap3A_69, %swap3A_70], %broadcast_in_dim3A_68 {strides = array<i32>} : memref<1x64xf32, #tpu.memory_space<vmem>>, vector<1x64xf32>,
    } else {
    }
    %get3A_49 = arith.constant 0 : index
    %get3A_50 = arith.constant 0 : index
    %get3A_51 = vector.load %arg9[%get3A_49, %get3A_50] : memref<1x64xf32, #tpu.memory_space<vmem>>, vector<1x64xf32>
    %add3A_52 = arith.addf %get3A_51, %broadcast_in_dim3A_42 : vector<1x64xf32>
    %swap3A = arith.constant 0 : index
    %swap3A_53 = arith.constant 0 : index
    %swap3A_54 = vector.load %arg9[%swap3A, %swap3A_53] : memref<1x64xf32, #tpu.memory_space<vmem>>, vector<1x64xf32>
    tpu.vector_store %arg9[%swap3A, %swap3A_53], %add3A_52 {strides = array<i32>} : memref<1x64xf32, #tpu.memory_space<vmem>>, vector<1x64xf32>,
    %get3A_55 = arith.constant 0 : index
    %get3A_56 = arith.constant 0 : index
    %get3A_57 = vector.load %arg10[%get3A_55, %get3A_56] : memref<1x64xf32, #tpu.memory_space<vmem>>, vector<1x64xf32>
    %add3A_58 = arith.addf %get3A_57, %broadcast_in_dim3A_46 : vector<1x64xf32>
    %swap3A_59 = arith.constant 0 : index
    %swap3A_60 = arith.constant 0 : index
    %swap3A_61 = vector.load %arg10[%swap3A_59, %swap3A_60] : memref<1x64xf32, #tpu.memory_space<vmem>>, vector<1x64xf32>
    tpu.vector_store %arg10[%swap3A_59, %swap3A_60], %add3A_58 {strides = array<i32>} : memref<1x64xf32, #tpu.memory_space<vmem>>, vector<1x64xf32>,
    return
  }
  func.func @transform_0(%arg0: i32) -> (i32, i32) {
    %c0_i32 = arith.constant 0 : i32
    %c0_i32_0 = arith.constant 0 : i32
    return %arg0, %c0_i32 : i32, i32
  }
  func.func @transform_1(%arg0: i32) -> (i32, i32) {
    %c0_i32 = arith.constant 0 : i32
    %c0_i32_0 = arith.constant 0 : i32
    return %arg0, %c0_i32 : i32, i32
  }
  func.func @transform_2(%arg0: i32) -> (i32, i32) {
    %c0_i32 = arith.constant 0 : i32
    %c0_i32_0 = arith.constant 0 : i32
    %c0_i32_1 = arith.constant 0 : i32
    return %c0_i32, %c0_i32_0 : i32, i32
  }
  func.func @transform_3(%arg0: i32) -> (i32, i32) {
    %c0_i32 = arith.constant 0 : i32
    %c0_i32_0 = arith.constant 0 : i32
    %c0_i32_1 = arith.constant 0 : i32
    return %c0_i32, %c0_i32_0 : i32, i32
  }
  func.func @transform_4(%arg0: i32) -> (i32, i32) {
    %c0_i32 = arith.constant 0 : i32
    %c0_i32_0 = arith.constant 0 : i32
    %c0_i32_1 = arith.constant 0 : i32
    return %c0_i32, %c0_i32_0 : i32, i32
  }
  func.func @transform_5(%arg0: i32) -> (i32, i32) {
    %c0_i32 = arith.constant 0 : i32
    %c0_i32_0 = arith.constant 0 : i32
    %c0_i32_1 = arith.constant 0 : i32
    return %c0_i32, %c0_i32_0 : i32, i32
  }
  func.func @transform_6(%arg0: i32) -> (i32, i32) {
    %c0_i32 = arith.constant 0 : i32
    %c0_i32_0 = arith.constant 0 : i32
    %c0_i32_1 = arith.constant 0 : i32
    return %c0_i32, %c0_i32_0 : i32, i32
  }
  func.func @transform_7(%arg0: i32) -> (i32, i32) {
    %c0_i32 = arith.constant 0 : i32
    %c0_i32_0 = arith.constant 0 : i32
    %c0_i32_1 = arith.constant 0 : i32
    return %c0_i32, %c0_i32_0 : i32, i32
  }
  func.func @transform_8(%arg0: i32) -> (i32, i32) {
    %c0_i32 = arith.constant 0 : i32
    %c0_i32_0 = arith.constant 0 : i32
    %c0_i32_1 = arith.constant 0 : i32
    return %c0_i32, %c0_i32_0 : i32, i32
  }
  func.func @transform_9(%arg0: i32) -> (i32, i32) {
    %c0_i32 = arith.constant 0 : i32
    %c0_i32_0 = arith.constant 0 : i32
    %c0_i32_1 = arith.constant 0 : i32
    return %c0_i32, %c0_i32_0 : i32, i32
  }
}

module attributes {stable_mosaic.version = 14 : i64} {
  func.func @_p3_kernel(%arg0: i32, %arg1: memref<8192x72xf32, #tpu.memory_space<vmem>>, %arg2: memref<256x3xf32, #tpu.memory_space<vmem>>, %arg3: memref<72x64xf32, #tpu.memory_space<vmem>>, %arg4: memref<1x64xf32, #tpu.memory_space<vmem>>, %arg5: memref<1x64xf32, #tpu.memory_space<vmem>>, %arg6: memref<1x64xf32, #tpu.memory_space<vmem>>, %arg7: memref<64x64xf32, #tpu.memory_space<vmem>>, %arg8: memref<1x64xf32, #tpu.memory_space<vmem>>, %arg9: memref<1x64xf32, #tpu.memory_space<vmem>>, %arg10: memref<1x64xf32, #tpu.memory_space<vmem>>, %arg11: memref<64x128xf32, #tpu.memory_space<vmem>>, %arg12: memref<1x128xf32, #tpu.memory_space<vmem>>, %arg13: memref<256x128xf32, #tpu.memory_space<vmem>>, %arg14: memref<256x128xf32, #tpu.memory_space<vmem>>, %arg15: memref<1x128xf32, #tpu.memory_space<vmem>>, %arg16: memref<1x128xf32, #tpu.memory_space<vmem>>) attributes {dimension_semantics = [#tpu.dimension_semantics<arbitrary>], iteration_bounds = array<i64: 64>, scalar_prefetch = 0 : i64, scratch_operands = 0 : i64, tpu.core_type = #tpu.core_type<tc>, window_params = [{transform_indices = @transform_0, window_bounds = array<i64: 8192, 72>}, {transform_indices = @transform_1, window_bounds = array<i64: 256, 3>}, {pipeline_mode = #tpu.pipeline_mode<synchronous>, transform_indices = @transform_2, window_bounds = array<i64: 72, 64>}, {pipeline_mode = #tpu.pipeline_mode<synchronous>, transform_indices = @transform_3, window_bounds = array<i64: 1, 64>}, {pipeline_mode = #tpu.pipeline_mode<synchronous>, transform_indices = @transform_4, window_bounds = array<i64: 1, 64>}, {pipeline_mode = #tpu.pipeline_mode<synchronous>, transform_indices = @transform_5, window_bounds = array<i64: 1, 64>}, {pipeline_mode = #tpu.pipeline_mode<synchronous>, transform_indices = @transform_6, window_bounds = array<i64: 64, 64>}, {pipeline_mode = #tpu.pipeline_mode<synchronous>, transform_indices = @transform_7, window_bounds = array<i64: 1, 64>}, {pipeline_mode = #tpu.pipeline_mode<synchronous>, transform_indices = @transform_8, window_bounds = array<i64: 1, 64>}, {pipeline_mode = #tpu.pipeline_mode<synchronous>, transform_indices = @transform_9, window_bounds = array<i64: 1, 64>}, {pipeline_mode = #tpu.pipeline_mode<synchronous>, transform_indices = @transform_10, window_bounds = array<i64: 64, 128>}, {pipeline_mode = #tpu.pipeline_mode<synchronous>, transform_indices = @transform_11, window_bounds = array<i64: 1, 128>}, {transform_indices = @transform_12, window_bounds = array<i64: 256, 128>}, {transform_indices = @transform_13, window_bounds = array<i64: 256, 128>}, {pipeline_mode = #tpu.pipeline_mode<synchronous>, transform_indices = @transform_14, window_bounds = array<i64: 1, 128>}, {pipeline_mode = #tpu.pipeline_mode<synchronous>, transform_indices = @transform_15, window_bounds = array<i64: 1, 128>}]} {
    %get3A = arith.constant 0 : index
    %get3A_0 = arith.constant 0 : index
    %get3A_1 = vector.load %arg1[%get3A, %get3A_0] : memref<8192x72xf32, #tpu.memory_space<vmem>>, vector<8192x72xf32>
    %get3A_2 = arith.constant 0 : index
    %get3A_3 = arith.constant 0 : index
    %get3A_4 = vector.load %arg3[%get3A_2, %get3A_3] : memref<72x64xf32, #tpu.memory_space<vmem>>, vector<72x64xf32>
    %dot_general3A = arith.constant dense<0.000000e+00> : vector<8192x64xf32>
    %dot_general3A_5 = tpu.matmul %get3A_1, %get3A_4, %dot_general3A {dimension_numbers = #tpu.dot_dimension_numbers<[1], [0], [0], [1], [0, 0, 1, 1], [], []>, transpose_lhs_hint = false} : vector<8192x72xf32>, vector<72x64xf32>, vector<8192x64xf32> -> vector<8192x64xf32>
    %get3A_6 = arith.constant 0 : index
    %get3A_7 = arith.constant 0 : index
    %get3A_8 = vector.load %arg4[%get3A_6, %get3A_7] : memref<1x64xf32, #tpu.memory_space<vmem>>, vector<1x64xf32>
    %add3A = vector.broadcast %get3A_8 : vector<1x64xf32> to vector<8192x64xf32>
    %add3A_9 = arith.addf %dot_general3A_5, %add3A : vector<8192x64xf32>
    %get3A_10 = arith.constant 0 : index
    %get3A_11 = arith.constant 0 : index
    %get3A_12 = vector.load %arg2[%get3A_10, %get3A_11] : memref<256x3xf32, #tpu.memory_space<vmem>>, vector<256x3xf32>
    %get3A_13 = arith.constant 0 : index
    %get3A_14 = arith.constant 0 : index
    %get3A_15 = vector.load %arg3[%get3A_13, %get3A_14] : memref<72x64xf32, #tpu.memory_space<vmem>>, vector<3x64xf32>
    %dot_general3A_16 = arith.constant dense<0.000000e+00> : vector<256x64xf32>
    %dot_general3A_17 = tpu.matmul %get3A_12, %get3A_15, %dot_general3A_16 {dimension_numbers = #tpu.dot_dimension_numbers<[1], [0], [0], [1], [0, 0, 1, 1], [], []>, transpose_lhs_hint = false} : vector<256x3xf32>, vector<3x64xf32>, vector<256x64xf32> -> vector<256x64xf32>
    %reshape3A = vector.shape_cast %add3A_9 : vector<8192x64xf32> to vector<256x32x64xf32>
    %broadcast_in_dim3A = vector.shape_cast %dot_general3A_17 : vector<256x64xf32> to vector<256x1x64xf32>
    %sub3A = vector.broadcast %broadcast_in_dim3A : vector<256x1x64xf32> to vector<256x32x64xf32>
    %sub3A_18 = arith.subf %reshape3A, %sub3A : vector<256x32x64xf32>
    %reshape3A_19 = vector.shape_cast %sub3A_18 : vector<256x32x64xf32> to vector<8192x64xf32>
    %get3A_20 = arith.constant 0 : index
    %get3A_21 = arith.constant 0 : index
    %get3A_22 = vector.load %arg5[%get3A_20, %get3A_21] : memref<1x64xf32, #tpu.memory_space<vmem>>, vector<1x64xf32>
    %mul3A = vector.broadcast %get3A_22 : vector<1x64xf32> to vector<8192x64xf32>
    %mul3A_23 = arith.mulf %reshape3A_19, %mul3A : vector<8192x64xf32>
    %get3A_24 = arith.constant 0 : index
    %get3A_25 = arith.constant 0 : index
    %get3A_26 = vector.load %arg6[%get3A_24, %get3A_25] : memref<1x64xf32, #tpu.memory_space<vmem>>, vector<1x64xf32>
    %add3A_27 = vector.broadcast %get3A_26 : vector<1x64xf32> to vector<8192x64xf32>
    %add3A_28 = arith.addf %mul3A_23, %add3A_27 : vector<8192x64xf32>
    %max3A = arith.constant 0.000000e+00 : f32
    %max3A_29 = vector.broadcast %max3A : f32 to vector<8192x64xf32>
    %max3A_30 = arith.maximumf %add3A_28, %max3A_29 : vector<8192x64xf32>
    %get3A_31 = arith.constant 0 : index
    %get3A_32 = arith.constant 0 : index
    %get3A_33 = vector.load %arg7[%get3A_31, %get3A_32] : memref<64x64xf32, #tpu.memory_space<vmem>>, vector<64x64xf32>
    %dot_general3A_34 = arith.constant dense<0.000000e+00> : vector<8192x64xf32>
    %dot_general3A_35 = tpu.matmul %max3A_30, %get3A_33, %dot_general3A_34 {dimension_numbers = #tpu.dot_dimension_numbers<[1], [0], [0], [1], [0, 0, 1, 1], [], []>, transpose_lhs_hint = false} : vector<8192x64xf32>, vector<64x64xf32>, vector<8192x64xf32> -> vector<8192x64xf32>
    %get3A_36 = arith.constant 0 : index
    %get3A_37 = arith.constant 0 : index
    %get3A_38 = vector.load %arg8[%get3A_36, %get3A_37] : memref<1x64xf32, #tpu.memory_space<vmem>>, vector<1x64xf32>
    %add3A_39 = vector.broadcast %get3A_38 : vector<1x64xf32> to vector<8192x64xf32>
    %add3A_40 = arith.addf %dot_general3A_35, %add3A_39 : vector<8192x64xf32>
    %get3A_41 = arith.constant 0 : index
    %get3A_42 = arith.constant 0 : index
    %get3A_43 = vector.load %arg9[%get3A_41, %get3A_42] : memref<1x64xf32, #tpu.memory_space<vmem>>, vector<1x64xf32>
    %mul3A_44 = vector.broadcast %get3A_43 : vector<1x64xf32> to vector<8192x64xf32>
    %mul3A_45 = arith.mulf %add3A_40, %mul3A_44 : vector<8192x64xf32>
    %get3A_46 = arith.constant 0 : index
    %get3A_47 = arith.constant 0 : index
    %get3A_48 = vector.load %arg10[%get3A_46, %get3A_47] : memref<1x64xf32, #tpu.memory_space<vmem>>, vector<1x64xf32>
    %add3A_49 = vector.broadcast %get3A_48 : vector<1x64xf32> to vector<8192x64xf32>
    %add3A_50 = arith.addf %mul3A_45, %add3A_49 : vector<8192x64xf32>
    %max3A_51 = arith.constant 0.000000e+00 : f32
    %max3A_52 = vector.broadcast %max3A_51 : f32 to vector<8192x64xf32>
    %max3A_53 = arith.maximumf %add3A_50, %max3A_52 : vector<8192x64xf32>
    %get3A_54 = arith.constant 0 : index
    %get3A_55 = arith.constant 0 : index
    %get3A_56 = vector.load %arg11[%get3A_54, %get3A_55] : memref<64x128xf32, #tpu.memory_space<vmem>>, vector<64x128xf32>
    %dot_general3A_57 = arith.constant dense<0.000000e+00> : vector<8192x128xf32>
    %dot_general3A_58 = tpu.matmul %max3A_53, %get3A_56, %dot_general3A_57 {dimension_numbers = #tpu.dot_dimension_numbers<[1], [0], [0], [1], [0, 0, 1, 1], [], []>, transpose_lhs_hint = false} : vector<8192x64xf32>, vector<64x128xf32>, vector<8192x128xf32> -> vector<8192x128xf32>
    %get3A_59 = arith.constant 0 : index
    %get3A_60 = arith.constant 0 : index
    %get3A_61 = vector.load %arg12[%get3A_59, %get3A_60] : memref<1x128xf32, #tpu.memory_space<vmem>>, vector<1x128xf32>
    %add3A_62 = vector.broadcast %get3A_61 : vector<1x128xf32> to vector<8192x128xf32>
    %add3A_63 = arith.addf %dot_general3A_58, %add3A_62 : vector<8192x128xf32>
    %reshape3A_64 = vector.shape_cast %add3A_63 : vector<8192x128xf32> to vector<256x32x128xf32>
    %reduce_max3A = arith.constant dense<0xFF800000> : vector<256x128xf32>
    %reduce_max3A_65 = vector.multi_reduction <maximumf>, %reshape3A_64, %reduce_max3A [1] : vector<256x32x128xf32> to vector<256x128xf32>
    %swap3A = arith.constant 0 : index
    %swap3A_66 = arith.constant 0 : index
    %swap3A_67 = vector.load %arg13[%swap3A, %swap3A_66] : memref<256x128xf32, #tpu.memory_space<vmem>>, vector<256x128xf32>
    tpu.vector_store %arg13[%swap3A, %swap3A_66], %reduce_max3A_65 {strides = array<i32>} : memref<256x128xf32, #tpu.memory_space<vmem>>, vector<256x128xf32>,
    %reduce_min3A = arith.constant dense<0x7F800000> : vector<256x128xf32>
    %reduce_min3A_68 = vector.multi_reduction <minimumf>, %reshape3A_64, %reduce_min3A [1] : vector<256x32x128xf32> to vector<256x128xf32>
    %swap3A_69 = arith.constant 0 : index
    %swap3A_70 = arith.constant 0 : index
    %swap3A_71 = vector.load %arg14[%swap3A_69, %swap3A_70] : memref<256x128xf32, #tpu.memory_space<vmem>>, vector<256x128xf32>
    tpu.vector_store %arg14[%swap3A_69, %swap3A_70], %reduce_min3A_68 {strides = array<i32>} : memref<256x128xf32, #tpu.memory_space<vmem>>, vector<256x128xf32>,
    %reduce_sum3A = arith.constant dense<0.000000e+00> : vector<128xf32>
    %reduce_sum3A_72 = vector.multi_reduction <add>, %add3A_63, %reduce_sum3A [0] : vector<8192x128xf32> to vector<128xf32>
    %broadcast_in_dim3A_73 = vector.shape_cast %reduce_sum3A_72 : vector<128xf32> to vector<1x128xf32>
    %mul3A_74 = arith.mulf %add3A_63, %add3A_63 : vector<8192x128xf32>
    %reduce_sum3A_75 = arith.constant dense<0.000000e+00> : vector<128xf32>
    %reduce_sum3A_76 = vector.multi_reduction <add>, %mul3A_74, %reduce_sum3A_75 [0] : vector<8192x128xf32> to vector<128xf32>
    %broadcast_in_dim3A_77 = vector.shape_cast %reduce_sum3A_76 : vector<128xf32> to vector<1x128xf32>
    %eq3A = arith.constant 0 : i32
    %eq3A_78 = arith.cmpi eq, %arg0, %eq3A : i32
    %convert_element_type3A = arith.extui %eq3A_78 : i1 to i32
    %cond3A = arith.constant 0 : i32
    %cond3A_79 = arith.cmpi ne, %convert_element_type3A, %cond3A : i32
    scf.if %cond3A_79 {
      %broadcast_in_dim3A_94 = arith.constant 0.000000e+00 : f32
      %broadcast_in_dim3A_95 = vector.broadcast %broadcast_in_dim3A_94 : f32 to vector<1x128xf32>
      %swap3A_96 = arith.constant 0 : index
      %swap3A_97 = arith.constant 0 : index
      %swap3A_98 = vector.load %arg15[%swap3A_96, %swap3A_97] : memref<1x128xf32, #tpu.memory_space<vmem>>, vector<1x128xf32>
      tpu.vector_store %arg15[%swap3A_96, %swap3A_97], %broadcast_in_dim3A_95 {strides = array<i32>} : memref<1x128xf32, #tpu.memory_space<vmem>>, vector<1x128xf32>,
      %broadcast_in_dim3A_99 = arith.constant 0.000000e+00 : f32
      %broadcast_in_dim3A_100 = vector.broadcast %broadcast_in_dim3A_99 : f32 to vector<1x128xf32>
      %swap3A_101 = arith.constant 0 : index
      %swap3A_102 = arith.constant 0 : index
      %swap3A_103 = vector.load %arg16[%swap3A_101, %swap3A_102] : memref<1x128xf32, #tpu.memory_space<vmem>>, vector<1x128xf32>
      tpu.vector_store %arg16[%swap3A_101, %swap3A_102], %broadcast_in_dim3A_100 {strides = array<i32>} : memref<1x128xf32, #tpu.memory_space<vmem>>, vector<1x128xf32>,
    } else {
    }
    %get3A_80 = arith.constant 0 : index
    %get3A_81 = arith.constant 0 : index
    %get3A_82 = vector.load %arg15[%get3A_80, %get3A_81] : memref<1x128xf32, #tpu.memory_space<vmem>>, vector<1x128xf32>
    %add3A_83 = arith.addf %get3A_82, %broadcast_in_dim3A_73 : vector<1x128xf32>
    %swap3A_84 = arith.constant 0 : index
    %swap3A_85 = arith.constant 0 : index
    %swap3A_86 = vector.load %arg15[%swap3A_84, %swap3A_85] : memref<1x128xf32, #tpu.memory_space<vmem>>, vector<1x128xf32>
    tpu.vector_store %arg15[%swap3A_84, %swap3A_85], %add3A_83 {strides = array<i32>} : memref<1x128xf32, #tpu.memory_space<vmem>>, vector<1x128xf32>,
    %get3A_87 = arith.constant 0 : index
    %get3A_88 = arith.constant 0 : index
    %get3A_89 = vector.load %arg16[%get3A_87, %get3A_88] : memref<1x128xf32, #tpu.memory_space<vmem>>, vector<1x128xf32>
    %add3A_90 = arith.addf %get3A_89, %broadcast_in_dim3A_77 : vector<1x128xf32>
    %swap3A_91 = arith.constant 0 : index
    %swap3A_92 = arith.constant 0 : index
    %swap3A_93 = vector.load %arg16[%swap3A_91, %swap3A_92] : memref<1x128xf32, #tpu.memory_space<vmem>>, vector<1x128xf32>
    tpu.vector_store %arg16[%swap3A_91, %swap3A_92], %add3A_90 {strides = array<i32>} : memref<1x128xf32, #tpu.memory_space<vmem>>, vector<1x128xf32>,
    return
  }
  func.func @transform_0(%arg0: i32) -> (i32, i32) {
    %c0_i32 = arith.constant 0 : i32
    %c0_i32_0 = arith.constant 0 : i32
    return %arg0, %c0_i32 : i32, i32
  }
  func.func @transform_1(%arg0: i32) -> (i32, i32) {
    %c0_i32 = arith.constant 0 : i32
    %c0_i32_0 = arith.constant 0 : i32
    return %arg0, %c0_i32 : i32, i32
  }
  func.func @transform_2(%arg0: i32) -> (i32, i32) {
    %c0_i32 = arith.constant 0 : i32
    %c0_i32_0 = arith.constant 0 : i32
    %c0_i32_1 = arith.constant 0 : i32
    return %c0_i32, %c0_i32_0 : i32, i32
  }
  func.func @transform_3(%arg0: i32) -> (i32, i32) {
    %c0_i32 = arith.constant 0 : i32
    %c0_i32_0 = arith.constant 0 : i32
    %c0_i32_1 = arith.constant 0 : i32
    return %c0_i32, %c0_i32_0 : i32, i32
  }
  func.func @transform_4(%arg0: i32) -> (i32, i32) {
    %c0_i32 = arith.constant 0 : i32
    %c0_i32_0 = arith.constant 0 : i32
    %c0_i32_1 = arith.constant 0 : i32
    return %c0_i32, %c0_i32_0 : i32, i32
  }
  func.func @transform_5(%arg0: i32) -> (i32, i32) {
    %c0_i32 = arith.constant 0 : i32
    %c0_i32_0 = arith.constant 0 : i32
    %c0_i32_1 = arith.constant 0 : i32
    return %c0_i32, %c0_i32_0 : i32, i32
  }
  func.func @transform_6(%arg0: i32) -> (i32, i32) {
    %c0_i32 = arith.constant 0 : i32
    %c0_i32_0 = arith.constant 0 : i32
    %c0_i32_1 = arith.constant 0 : i32
    return %c0_i32, %c0_i32_0 : i32, i32
  }
  func.func @transform_7(%arg0: i32) -> (i32, i32) {
    %c0_i32 = arith.constant 0 : i32
    %c0_i32_0 = arith.constant 0 : i32
    %c0_i32_1 = arith.constant 0 : i32
    return %c0_i32, %c0_i32_0 : i32, i32
  }
  func.func @transform_8(%arg0: i32) -> (i32, i32) {
    %c0_i32 = arith.constant 0 : i32
    %c0_i32_0 = arith.constant 0 : i32
    %c0_i32_1 = arith.constant 0 : i32
    return %c0_i32, %c0_i32_0 : i32, i32
  }
  func.func @transform_9(%arg0: i32) -> (i32, i32) {
    %c0_i32 = arith.constant 0 : i32
    %c0_i32_0 = arith.constant 0 : i32
    %c0_i32_1 = arith.constant 0 : i32
    return %c0_i32, %c0_i32_0 : i32, i32
  }
  func.func @transform_10(%arg0: i32) -> (i32, i32) {
    %c0_i32 = arith.constant 0 : i32
    %c0_i32_0 = arith.constant 0 : i32
    %c0_i32_1 = arith.constant 0 : i32
    return %c0_i32, %c0_i32_0 : i32, i32
  }
  func.func @transform_11(%arg0: i32) -> (i32, i32) {
    %c0_i32 = arith.constant 0 : i32
    %c0_i32_0 = arith.constant 0 : i32
    %c0_i32_1 = arith.constant 0 : i32
    return %c0_i32, %c0_i32_0 : i32, i32
  }
  func.func @transform_12(%arg0: i32) -> (i32, i32) {
    %c0_i32 = arith.constant 0 : i32
    %c0_i32_0 = arith.constant 0 : i32
    return %arg0, %c0_i32 : i32, i32
  }
  func.func @transform_13(%arg0: i32) -> (i32, i32) {
    %c0_i32 = arith.constant 0 : i32
    %c0_i32_0 = arith.constant 0 : i32
    return %arg0, %c0_i32 : i32, i32
  }
  func.func @transform_14(%arg0: i32) -> (i32, i32) {
    %c0_i32 = arith.constant 0 : i32
    %c0_i32_0 = arith.constant 0 : i32
    %c0_i32_1 = arith.constant 0 : i32
    return %c0_i32, %c0_i32_0 : i32, i32
  }
  func.func @transform_15(%arg0: i32) -> (i32, i32) {
    %c0_i32 = arith.constant 0 : i32
    %c0_i32_0 = arith.constant 0 : i32
    %c0_i32_1 = arith.constant 0 : i32
    return %c0_i32, %c0_i32_0 : i32, i32
  }
}

module attributes {stable_mosaic.version = 14 : i64} {
  func.func @_p4_kernel(%arg0: i32, %arg1: memref<2048x128xf32, #tpu.memory_space<vmem>>, %arg2: memref<2048x128xf32, #tpu.memory_space<vmem>>, %arg3: memref<1x128xf32, #tpu.memory_space<vmem>>, %arg4: memref<1x128xf32, #tpu.memory_space<vmem>>, %arg5: memref<2048x128xf32, #tpu.memory_space<vmem>>) attributes {dimension_semantics = [#tpu.dimension_semantics<arbitrary>], iteration_bounds = array<i64: 8>, scalar_prefetch = 0 : i64, scratch_operands = 0 : i64, tpu.core_type = #tpu.core_type<tc>, window_params = [{transform_indices = @transform_0, window_bounds = array<i64: 2048, 128>}, {transform_indices = @transform_1, window_bounds = array<i64: 2048, 128>}, {pipeline_mode = #tpu.pipeline_mode<synchronous>, transform_indices = @transform_2, window_bounds = array<i64: 1, 128>}, {pipeline_mode = #tpu.pipeline_mode<synchronous>, transform_indices = @transform_3, window_bounds = array<i64: 1, 128>}, {transform_indices = @transform_4, window_bounds = array<i64: 2048, 128>}]} {
    %get3A = arith.constant 0 : index
    %get3A_0 = arith.constant 0 : index
    %get3A_1 = vector.load %arg3[%get3A, %get3A_0] : memref<1x128xf32, #tpu.memory_space<vmem>>, vector<1x128xf32>
    %ge3A = arith.constant 0.000000e+00 : f32
    %ge3A_2 = vector.broadcast %ge3A : f32 to vector<1x128xf32>
    %ge3A_3 = arith.cmpf oge, %get3A_1, %ge3A_2 : vector<1x128xf32>
    %get3A_4 = arith.constant 0 : index
    %get3A_5 = arith.constant 0 : index
    %get3A_6 = vector.load %arg1[%get3A_4, %get3A_5] : memref<2048x128xf32, #tpu.memory_space<vmem>>, vector<2048x128xf32>
    %get3A_7 = arith.constant 0 : index
    %get3A_8 = arith.constant 0 : index
    %get3A_9 = vector.load %arg2[%get3A_7, %get3A_8] : memref<2048x128xf32, #tpu.memory_space<vmem>>, vector<2048x128xf32>
    %broadcast_in_dim3A = vector.shape_cast %ge3A_3 : vector<1x128xi1> to vector<1x128xi1>
    %broadcast_in_dim3A_10 = vector.broadcast %broadcast_in_dim3A : vector<1x128xi1> to vector<2048x128xi1>
    %select_n3A = arith.select %broadcast_in_dim3A_10, %get3A_6, %get3A_9 : vector<2048x128xi1>, vector<2048x128xf32>
    %mul3A = vector.broadcast %get3A_1 : vector<1x128xf32> to vector<2048x128xf32>
    %mul3A_11 = arith.mulf %select_n3A, %mul3A : vector<2048x128xf32>
    %get3A_12 = arith.constant 0 : index
    %get3A_13 = arith.constant 0 : index
    %get3A_14 = vector.load %arg4[%get3A_12, %get3A_13] : memref<1x128xf32, #tpu.memory_space<vmem>>, vector<1x128xf32>
    %add3A = vector.broadcast %get3A_14 : vector<1x128xf32> to vector<2048x128xf32>
    %add3A_15 = arith.addf %mul3A_11, %add3A : vector<2048x128xf32>
    %max3A = arith.constant 0.000000e+00 : f32
    %max3A_16 = vector.broadcast %max3A : f32 to vector<2048x128xf32>
    %max3A_17 = arith.maximumf %add3A_15, %max3A_16 : vector<2048x128xf32>
    %swap3A = arith.constant 0 : index
    %swap3A_18 = arith.constant 0 : index
    %swap3A_19 = vector.load %arg5[%swap3A, %swap3A_18] : memref<2048x128xf32, #tpu.memory_space<vmem>>, vector<2048x128xf32>
    tpu.vector_store %arg5[%swap3A, %swap3A_18], %max3A_17 {strides = array<i32>} : memref<2048x128xf32, #tpu.memory_space<vmem>>, vector<2048x128xf32>,
    return
  }
  func.func @transform_0(%arg0: i32) -> (i32, i32) {
    %c0_i32 = arith.constant 0 : i32
    %c0_i32_0 = arith.constant 0 : i32
    return %arg0, %c0_i32 : i32, i32
  }
  func.func @transform_1(%arg0: i32) -> (i32, i32) {
    %c0_i32 = arith.constant 0 : i32
    %c0_i32_0 = arith.constant 0 : i32
    return %arg0, %c0_i32 : i32, i32
  }
  func.func @transform_2(%arg0: i32) -> (i32, i32) {
    %c0_i32 = arith.constant 0 : i32
    %c0_i32_0 = arith.constant 0 : i32
    %c0_i32_1 = arith.constant 0 : i32
    return %c0_i32, %c0_i32_0 : i32, i32
  }
  func.func @transform_3(%arg0: i32) -> (i32, i32) {
    %c0_i32 = arith.constant 0 : i32
    %c0_i32_0 = arith.constant 0 : i32
    %c0_i32_1 = arith.constant 0 : i32
    return %c0_i32, %c0_i32_0 : i32, i32
  }
  func.func @transform_4(%arg0: i32) -> (i32, i32) {
    %c0_i32 = arith.constant 0 : i32
    %c0_i32_0 = arith.constant 0 : i32
    return %arg0, %c0_i32 : i32, i32
  }
}

</mosaic_0001>

<sc_bundles>
// kernel: kernel.10.cloned.1.call-start
scs
__scs_entry_jumppad:
0x0: {  	(pc) =	sbr.rel $0x88, $3  }
0x1: {  	(tag) =	ssettag $0x0;
	lr =	simm.s32 $0x1  }
0x2: {  	[smem:$0x3F93] =	sst lr;
	_ =	strace $0xD0000000  }
0x3: {  	_ = 	snop  }
0x4: {  	_ = 	snop  }
0x5: {  	_ = 	snop  }
0x6: {  	_ = 	snop  }
0x7: {  	_ = 	snop  }
__scs_overlays_trampoline_lowered:
0x8: {  	[smem:$0x3FA2] =	sst s0  }
0x9: {  	[smem:$0x3FA3] =	sst s1  }
0xa: {  	[smem:$0x3FA4] =	sst s2  }
0xb: {  	[smem:$0x3FA5] =	sst s3  }
0xc: {  	[smem:$0x3FA6] =	sst s4  }
0xd: {  	[smem:$0x3FA7] =	sst s5  }
0xe: {  	[smem:$0x3FA8] =	sst s6  }
0xf: {  	[smem:$0x3FA9] =	sst s7  }
0x10: {  	[smem:$0x3FAA] =	sst s8  }
0x11: {  	[smem:$0x3FAB] =	sst s9;
	s0 =	simm.s32 @!p0 $0x0  }
0x12: {  	s1 =	sld [smem:$0x3F91];
	s0 =	simm.s32 @p0 $0x1  }
0x13: {  	[smem:$0x3FAC] =	sst s0;
	s0 =	simm.s32 @!p1 $0x0  }
0x14: {  	s2 =	sld [smem:$0x3F90];
	s0 =	simm.s32 @p1 $0x1  }
0x15: {  	[smem:$0x3FAD] =	sst s0;
	s0 =	simm.s32 @!p2 $0x0  }
0x16: {  	s3 =	sld [smem:$0x3FDB];
	s0 =	simm.s32 @p2 $0x1  }
0x17: {  	s4 =	simm.s32 $0x1BF5;
	[smem:$0x3FAF] =	sst s0  }
0x18: {  	s0 =	sld [smem:$0x3F92];
	_ =	swait.ge [sflag:s4], $0x0  }
0x19: {  	s7 =	sld [smem:$0x3F93]  }
0x1a: {  	s8 =	sadd.s32 $0xFFFFE003, lr  }
0x1b: {  	s9 =	sadd.s32 $0xFFFFFEF7, lr;
	s5 =	simm.s32 $0xFFFFFFFF;
	p2 =	slt.u32 s8, $0xFFFFF086  }
0x1c: {  	p1 =	slt.u32 s9, $0xF7A;
	s5 =	simm.s32 @!p2 $0x0  }
0x1d: {  	s5 =	simm.s32 @p1 $0x1;
	p0 =	seq.s32 s7, s2  }
0x1e: {  	s7 =	smul.u32 @!p0 $0xF7A, s2;
	p2 =	seq.s32 @!p0 s5, $0x0  }
0x1f: {  	s9 =	smul.u32 $0xF7A, s1;
	s8 =	simm.s32 @!p0 $0x1BF5;
	p2 =	por !p2, p0  }
0x20: {  	[sflag:s8] =	ssyncset.s32 @!p0 $0xFFFFF086;
	s6 =	sadd.s32 @!p0 s3, s7;
	s7 =	simm.s32 @!p0 $0x108  }
0x21: {  	s3 =	sadd.s32 s3, s9;
	s6 =	sadd.s32 @!p0 $0x88, s6;
	s7 =	simm.s32 @p2 $0x1082  }
0x22: {  	[simem:s7], [sflag:s8] =	dma.local @!p0 [hbm:s6], $0xF7A  }
0x23: {  	s9 =	sor.u32 $0xD0000000, s2;
	s6 =	simm.s32 $0x108;
	_ =	swait.ge @!p0 [sflag:s8], $0x0  }
0x24: {  	s3 =	sadd.s32 $0x88, s3;
	s6 =	simm.s32 @!p1 $0x1082;
	[sflag:s4] =	ssyncset.s32 $0xFFFFF086  }
0x25: {  	[simem:s6], [sflag:s4] =	dma.local [hbm:s3], $0xF7A  }
0x26: {  	[smem:$0x3F93] =	sst s1;
	(tag) =	ssettag s2;
	_ =	strace s9  }
0x27: {  	s1 =	sld [smem:$0x3FA3]  }
0x28: {  	s2 =	sld [smem:$0x3FA4]  }
0x29: {  	s4 =	sld [smem:$0x3FA6]  }
0x2a: {  	p0 =	seq.s32 s5, $0x0;
	s5 =	sld [smem:$0x3FA7]  }
0x2b: {  	s6 =	sld [smem:$0x3FA8]  }
0x2c: {  	s7 =	sld [smem:$0x3FA9]  }
0x2d: {  	s3 =	simm.s32 $0x108;
	s8 =	sld [smem:$0x3FAA]  }
0x2e: {  	s3 =	simm.s32 @!p0 $0x1082;
	s9 =	sld [smem:$0x3FAB]  }
0x2f: {  	lr =	sadd.s32 s0, s3;
	s0 =	sld [smem:$0x3FA2]  }
0x30: {  	s3 =	sld [smem:$0x3FA5]  }
0x31: {  	[smem:$0x3FAE] =	sst s10  }
0x32: {  	s10 =	sld [smem:$0x3FAC];
	_ =	sdelay $0x3  }
0x33: {  	p0 =	seq.s32 s10, $0x1;
	s10 =	sld [smem:$0x3FAE];
	_ =	sdelay $0x3  }
0x34: {  	[smem:$0x3FAE] =	sst s10  }
0x35: {  	s10 =	sld [smem:$0x3FAD];
	_ =	sdelay $0x3  }
0x36: {  	p1 =	seq.s32 s10, $0x1;
	s10 =	sld [smem:$0x3FAE];
	_ =	sdelay $0x3  }
0x37: {  	[smem:$0x3FAE] =	sst s10  }
0x38: {  	s10 =	sld [smem:$0x3FAF]  }
0x39: {  	_ = 	snop;
	(pc) =	sbr.ind lr, $3  }
0x3a: {  	_ = 	snop  }
0x3b: {  	_ = 	snop  }
0x3c: {  	p2 =	seq.s32 s10, $0x1;
	s10 =	sld [smem:$0x3FAE]  }
0x3d: {  	_ =	shalt  }
0x3e: {  	_ =	shalt  }
0x3f: {  	_ =	shalt  }
0x40: {  	_ =	shalt  }
0x41: {  	_ =	shalt  }
0x42: {  	_ =	shalt  }
0x43: {  	_ =	shalt  }
0x44: {  	_ =	shalt  }
0x45: {  	_ =	shalt  }
0x46: {  	_ =	shalt  }
0x47: {  	_ =	shalt  }
0x48: {  	_ =	shalt  }
0x49: {  	_ =	shalt  }
0x4a: {  	_ =	shalt  }
0x4b: {  	_ =	shalt  }
0x4c: {  	_ =	shalt  }
0x4d: {  	_ =	shalt  }
0x4e: {  	_ =	shalt  }
0x4f: {  	_ =	shalt  }
0x50: {  	_ =	shalt  }
0x51: {  	_ =	shalt  }
0x52: {  	_ =	shalt  }
0x53: {  	_ =	shalt  }
0x54: {  	_ =	shalt  }
0x55: {  	_ =	shalt  }
0x56: {  	_ =	shalt  }
0x57: {  	_ =	shalt  }
0x58: {  	_ =	shalt  }
0x59: {  	_ =	shalt  }
0x5a: {  	_ =	shalt  }
0x5b: {  	_ =	shalt  }
0x5c: {  	_ =	shalt  }
0x5d: {  	_ =	shalt  }
0x5e: {  	_ =	shalt  }
0x5f: {  	_ =	shalt  }
0x60: {  	_ =	shalt  }
0x61: {  	_ =	shalt  }
0x62: {  	_ =	shalt  }
0x63: {  	_ =	shalt  }
0x64: {  	_ =	shalt  }
0x65: {  	_ =	shalt  }
0x66: {  	_ =	shalt  }
0x67: {  	_ =	shalt  }
0x68: {  	_ =	shalt  }
0x69: {  	_ =	shalt  }
0x6a: {  	_ =	shalt  }
0x6b: {  	_ =	shalt  }
0x6c: {  	_ =	shalt  }
0x6d: {  	_ =	shalt  }
0x6e: {  	_ =	shalt  }
0x6f: {  	_ =	shalt  }
0x70: {  	_ =	shalt  }
0x71: {  	_ =	shalt  }
0x72: {  	_ =	shalt  }
0x73: {  	_ =	shalt  }
0x74: {  	_ =	shalt  }
0x75: {  	_ =	shalt  }
0x76: {  	_ =	shalt  }
0x77: {  	_ =	shalt  }
0x78: {  	_ =	shalt  }
0x79: {  	_ =	shalt  }
0x7a: {  	_ =	shalt  }
0x7b: {  	_ =	shalt  }
0x7c: {  	_ =	shalt  }
0x7d: {  	_ =	shalt  }
0x7e: {  	_ =	shalt  }
0x7f: {  	_ =	shalt  }
0x80: {  	_ =	shalt  }
0x81: {  	_ =	shalt  }
0x82: {  	_ =	shalt  }
0x83: {  	_ =	shalt  }
0x84: {  	_ =	shalt  }
0x85: {  	_ =	shalt  }
0x86: {  	_ =	shalt  }
0x87: {  	_ =	shalt  }
.Lfunc_end0:
.L_simem_size_0:
called_computation_lowered:
.L_overlay_start_0:
0x88: {  	s2 =	sld [smem:$0x3FD9]  }
0x89: {  	s3 =	sld [smem:$0x3FFE];
	_ =	sdelay $0x1  }
0x8a: {  	s1 =	srdreg.scid  }
0x8b: {  	s0 =	sand.u32 $0x1, s1  }
0x8c: {  	s14 =	sshll.u32 s0, $0xA;
	s2 =	sadd.s32 s3, s2  }
0x8d: {  	s2 =	sadd.s32 s2, s14  }
0x8e: {  	[smem:$0x3FBA] =	sst s2  }
0x8f: {  	_ = 	snop  }
0x90: {  	s2 =	sld [smem:$0x3FD0];
	_ =	sdelay $0x2  }
0x91: {  	s15 =	simm.s32 $0xA;
	s4 =	simm.s32 $0x10  }
0x92: {  	[smem:s4], [sflag:s15] =	dma.local [hbm:s2], $0x1  }
0x93: {  	_ =	swait.eq [sflag:s15], $0x1  }
0x94: {  	[sflag:s15] =	ssyncset.done $0x0  }
0x95: {  	s16 =	sld [smem:$0x10];
	[sflag:s15] =	ssyncadd.s32 $0xFFFFFFFF  }
0x96: {  	s17 =	sld [smem:$0x11];
	(tm) =	ssettm $0x1  }
0x97: {  	s18 =	sld [smem:$0x3FFB];
	_ =	sdelay $0x3  }
0x98: {  	_ =	strace s18  }
0x99: {  	s4 =	sld [smem:$0x3FFC];
	_ =	sdelay $0x3  }
0x9a: {  	_ =	strace s4  }
0x9b: {  	s4 =	sld [smem:$0x3FFD];
	_ =	sdelay $0x3  }
0x9c: {  	_ =	strace s4  }
0x9d: {  	_ =	strace $0x8FFFFFFF  }
0x9e: {  	s19 =	sld [smem:$0x3FDB];
	_ =	sdelay $0x1  }
0x9f: {  	s5 =	simm.s32 $_scs_section_size  }
0xa0: {  	s6 =	simm.s32 $_size__tile_overlayer_lowered;
	s7 =	simm.s32 $_tile_overlayer_lowered  }
0xa1: {  	s22 =	simm.s32 $0x1BFF;
	s21 =	sshll.u32 s7, $0x1;
	s4 =	sadd.s32 s5, s19  }
0xa2: {  	s8 =	simm.s32 $0x0;
	s20 =	sshll.u32 s6, $0x1;
	s6 =	sadd.s32 s21, s4  }
0xa3: {  	[timem:s8], [sflag:s22] =	dma.local [hbm:s6], s20  }
0xa4: {  	_ =	swait.ge [sflag:s22], s20  }
0xa5: {  	s5 =	ssub.s32 $0x0, s20;
	[sflag:s22] =	ssyncset.done $0x0  }
0xa6: {  	[sflag:s22] =	ssyncadd.s32 s5;
	_ =	sdelay $0x1  }
0xa7: {  	s23 =	simm.s32 $0x1B8B  }
0xa8: {  	_ =	swait.ge [sflag:s23], $0x1  }
0xa9: {  	[sflag:s23] =	ssyncset.done $0x0  }
0xaa: {  	s25 =	simm.s32 $0x1B8E;
	s24 =	sld [smem:$0x3FFE];
	[sflag:s23] =	ssyncadd.s32 $0xFFFFFFFF  }
0xab: {  	s26 =	simm.s32 $execute0_lowered;
	[smem:$0x3FD2] =	sst s25  }
0xac: {  	s6 =	sshll.u32 s26, $0x1;
	_ =	strace $0x80000046;
	[dreg:$0x1] =	wrdreg $0xFFFFFFFF  }
0xad: {  	s28 =	simm.s32 $_size_execute0_lowered;
	s4 =	sadd.s32 s4, s6;
	[dreg:$0x0] =	wrdreg $0x0  }
0xae: {  	s6 =	sshll.u32 s28, $0x1;
	[dreg:$0x2] =	wrdreg s4  }
0xaf: {  	[dreg:$0x3] =	wrdreg s6  }
0xb0: {  	[dreg:$0x4] =	wrdreg $0xC0  }
0xb1: {  	_ =	task [dreg:s8], $0x5FFFF  }
0xb2: {  	[dreg:$0x1] =	wrdreg $0xFFFFFFFF  }
0xb3: {  	[dreg:$0x0] =	wrdreg $0x60  }
0xb4: {  	[dreg:$0x2] =	wrdreg s24  }
0xb5: {  	[dreg:$0x3] =	wrdreg s16  }
0xb6: {  	[dreg:$0x4] =	wrdreg s17  }
0xb7: {  	[dreg:$0x5] =	wrdreg $0x9  }
0xb8: {  	_ =	task.clear_ibuf [dreg:s8], $0x6FFFF;
	_ =	strace $0x90000046  }
0xb9: {  	s29 =	simm.s32 $0x9;
	_ =	strace $0x80000048  }
0xba: {  	_ =	swait.ge [sflag:s29], $0x1  }
0xbb: {  	[sflag:s29] =	ssyncadd.s32 $0xFFFFFFFF  }
0xbc: {  	_ =	strace $0x90000048  }
0xbd: {  	_ =	sfence  }
0xbe: {  	s30 =	sld [smem:$0x0];
	_ =	sdelay $0x2  }
0xbf: {  	s31 =	sshll.u32 s1, $0xD;
	s1 =	sshrl.u32 s1, $0x2  }
0xc0: {  	s3 =	sand.u32 $0x4000, s31;
	s1 =	sadd.s32 s1, s30  }
0xc1: {  	s0 =	sor.u32 s3, s0;
	s1 =	sshll.u32 s1, $0x11  }
0xc2: {  	s0 =	sor.u32 s1, s0  }
0xc3: {  	s0 =	sadd.s32 $0x8F2B, s0  }
0xc4: {  	[sflag:s0] =	ssyncadd.remote.s32 $0x1  }
0xc5: {  	_ =	sfence.sel $0xFFFF  }
0xc6: {  	[dreg:$0x0] =	wrdreg $0xFFFFFFFF;
	(pc) =	sbr.abs _section_cstart, $3  }
0xc7: {  	[dreg:$0x1] =	wrdreg $0xFFFFFFFF  }
0xc8: {  	_ =	task.clear_ibuf [dreg:s8], $0x2FFFF;
	_ =	strace $0x9FFFFFFF  }
0xc9: {  	(tm) =	ssettm $0x7FFFFFFF  }
tec
execute0_lowered:
.L_overlay_start_1:
0x0: {  	(tag) =	ssettag $0x1  }
0x1: {  	s5 =	rddreg [dreg:$0x0]  }
0x2: {  	s1 =	srdreg.scid;
	s3 =	rddreg [dreg:$0x1]  }
0x3: {  	s0 =	stileid.u32;
	s8 =	rddreg [dreg:$0x2];
	s6 =	sand.u32 $0x1, s1  }
0x4: {  	s2 =	simm.s32 $0x0;
	s4 =	sshll.u32 s0, $0xA;
	s7 =	sshll.u32 s6, $0x9  }
0x5: {  	[smem:$0x7FF] =	sst s2;
	s9 =	sor.u32 s7, s4  }
0x6: {  	s1 =	rddreg [dreg:$0x3];
	_ =	strace $0x80000047;
	s4 =	sshrl.u32 s9, $0x3  }
0x7: {  	s10 =	ssub.s32 $0x2, s6;
	s4 =	sadd.s32 s3, s4;
	s3 =	simm.s32 $0x2  }
0x8: {  	[tilespmem:s2], [sflag:$0x2] =	stream.linear.gather [hbm4b:s4+s2], $0x200, $0x38;
	[tilespmem:$0x9200] =	vst v63  }
0x9: {  	s5 =	sadd.s32 $0x103A00, s5;
	s11 =	sshrl.u32 s10, $0x1;
	_ =	swait.ge [sflag:s3], $0x200  }
0xa: {  	s6 =	simm.s32 $0x200;
	s10 =	ssub.s32 s10, s11;
	[sflag:s3] =	ssyncset.done $0x0  }
0xb: {  	s7 =	simm.s32 $0x1;
	s31 =	smax.u32 s10, $0x1;
	[sflag:s3] =	ssyncadd.s32 $0xFFFFFE00  }
0xc: {  	[tilespmem:s6], [sflag:$0x1] =	stream.indirect.gather [hbm4b:s5+s6], $0x48, s2, s6, $0xb8;
	[tilespmem:$0x9200] =	vst v63  }
0xd: {  	s9 =	smul.u32 $0x9, s9;
	p0 =	sne.s32 s31, $0x1;
	_ =	swait.ge [sflag:s7], $0x9000  }
.Ltmp0:
0xe: {  	[sflag:s7] =	ssyncset.done $0x0;
	(pc) =	sbr.rel @!p0 .LBB2_2-.Ltmp0, $4  }
0xf: {  	s8 =	sadd.s32 s8, s9;
	[sflag:s7] =	ssyncadd.s32 $0xFFFF7000  }
0x10: {  	[hbm4b:s8+s2] =	stream.linear.scatter [tilespmem:s6], [sflag:$0x2], $0x9000, $0x38;
	[tilespmem:$0x9200] =	vst v63  }
0x11: {  	_ =	swait.ge [sflag:s3], $0x9000  }
0x12: {  	s9 =	sadd.s32 $0xFFFFFFFF, s31;
	[sflag:s3] =	ssyncset.done $0x0  }
.LBB2_1:
0x13: {  	p0 =	sne.s32 s9, $0x1;
	s9 =	sadd.s32 $0xFFFFFFFF, s9;
	[sflag:s3] =	ssyncadd.s32 $0xFFFF7000  }
0x14: {  	[tilespmem:s2], [sflag:$0x2] =	stream.linear.gather [hbm4b:s4+s2], $0x200, $0x38;
	[tilespmem:$0x9200] =	vst v63  }
0x15: {  	_ =	swait.ge [sflag:s3], $0x200  }
0x16: {  	[sflag:s3] =	ssyncset.done $0x0  }
0x17: {  	[sflag:s3] =	ssyncadd.s32 $0xFFFFFE00  }
0x18: {  	[tilespmem:s6], [sflag:$0x1] =	stream.indirect.gather [hbm4b:s5+s6], $0x48, s2, s6, $0xb8;
	[tilespmem:$0x9200] =	vst v63  }
0x19: {  	_ =	swait.ge [sflag:s7], $0x9000  }
.Ltmp1:
0x1a: {  	[sflag:s7] =	ssyncset.done $0x0;
	(pc) =	sbr.rel @p0 .LBB2_1-.Ltmp1, $4  }
0x1b: {  	[sflag:s7] =	ssyncadd.s32 $0xFFFF7000  }
0x1c: {  	[hbm4b:s8+s2] =	stream.linear.scatter [tilespmem:s6], [sflag:$0x2], $0x9000, $0x38;
	[tilespmem:$0x9200] =	vst v63  }
0x1d: {  	_ =	swait.ge [sflag:s3], $0x9000  }
0x1e: {  	[sflag:s3] =	ssyncset.done $0x0  }
.LBB2_2:
0x1f: {  	[sflag:s3] =	ssyncadd.s32 $0xFFFF7000  }
0x20: {  	_ =	sfence.sel $0x180000  }
0x21: {  	[bflag:$0x0] =	sbarrier.arrive $0xFFFF  }
0x22: {  	p0 =	sne.s32 s0, $0x0;
	_ =	strace $0x90000047  }
0x23: {  	s0 =	sadd.s32 @!p0 $0x100000, s1;
	[bflag:$0x2] =	sbarrier.arrive $0xFFFF  }
0x24: {  	[sflag:s0] =	ssyncadd.tile.s32 @!p0 $0x1;
	_ =	shalt  }
.Lfunc_end2:
_tile_overlayer_lowered:
.L_overlay_start_2:
0x25: {  	(tag) =	ssettag $0x2  }
0x26: {  	s0 =	rddreg [dreg:$0x0];
	s2 =	stileid.u32  }
0x27: {  	s1 =	rddreg [dreg:$0x1];
	p0 =	sne.s32 s2, $0x0  }
0x28: {  	s3 =	rddreg [dreg:$0x2];
	[bflag:$0x3] =	sbarrier.arrive $0xFFFF;
	s2 =	simm.s32 @!p0 $0x1C02  }
0x29: {  	[timem:s3], [sflag:s2] =	dma.local @!p0 [hbm:s0], s1  }
0x2a: {  	s0 =	simm.s32 @!p0 $0x2  }
0x2b: {  	_ =	swait.ge @!p0 [sflag:s0], s1  }
0x2c: {  	s1 =	ssub.s32 @!p0 $0x0, s1;
	[sflag:s0] =	ssyncset.done @!p0 $0x0  }
0x2d: {  	[sflag:s0] =	ssyncadd.s32 @!p0 s1  }
0x2e: {  	[bflag:$0x3] =	sbarrier.arrive $0xFFFF  }
0x2f: {  	_ =	shalt  }

// kernel: kernel.13.cloned.1.call-start
scs
__scs_entry_jumppad:
0x0: {  	(pc) =	sbr.rel $0x88, $3  }
0x1: {  	(tag) =	ssettag $0x0;
	lr =	simm.s32 $0x1  }
0x2: {  	[smem:$0x3F93] =	sst lr;
	_ =	strace $0xD0000000  }
0x3: {  	_ = 	snop  }
0x4: {  	_ = 	snop  }
0x5: {  	_ = 	snop  }
0x6: {  	_ = 	snop  }
0x7: {  	_ = 	snop  }
__scs_overlays_trampoline_lowered:
0x8: {  	[smem:$0x3FA2] =	sst s0  }
0x9: {  	[smem:$0x3FA3] =	sst s1  }
0xa: {  	[smem:$0x3FA4] =	sst s2  }
0xb: {  	[smem:$0x3FA5] =	sst s3  }
0xc: {  	[smem:$0x3FA6] =	sst s4  }
0xd: {  	[smem:$0x3FA7] =	sst s5  }
0xe: {  	[smem:$0x3FA8] =	sst s6  }
0xf: {  	[smem:$0x3FA9] =	sst s7  }
0x10: {  	[smem:$0x3FAA] =	sst s8  }
0x11: {  	[smem:$0x3FAB] =	sst s9;
	s0 =	simm.s32 @!p0 $0x0  }
0x12: {  	s1 =	sld [smem:$0x3F91];
	s0 =	simm.s32 @p0 $0x1  }
0x13: {  	[smem:$0x3FAC] =	sst s0;
	s0 =	simm.s32 @!p1 $0x0  }
0x14: {  	s2 =	sld [smem:$0x3F90];
	s0 =	simm.s32 @p1 $0x1  }
0x15: {  	[smem:$0x3FAD] =	sst s0;
	s0 =	simm.s32 @!p2 $0x0  }
0x16: {  	s3 =	sld [smem:$0x3FDB];
	s0 =	simm.s32 @p2 $0x1  }
0x17: {  	s4 =	simm.s32 $0x1BF5;
	[smem:$0x3FAF] =	sst s0  }
0x18: {  	s0 =	sld [smem:$0x3F92];
	_ =	swait.ge [sflag:s4], $0x0  }
0x19: {  	s7 =	sld [smem:$0x3F93]  }
0x1a: {  	s8 =	sadd.s32 $0xFFFFE003, lr  }
0x1b: {  	s9 =	sadd.s32 $0xFFFFFEF7, lr;
	s5 =	simm.s32 $0xFFFFFFFF;
	p2 =	slt.u32 s8, $0xFFFFF086  }
0x1c: {  	p1 =	slt.u32 s9, $0xF7A;
	s5 =	simm.s32 @!p2 $0x0  }
0x1d: {  	s5 =	simm.s32 @p1 $0x1;
	p0 =	seq.s32 s7, s2  }
0x1e: {  	s7 =	smul.u32 @!p0 $0xF7A, s2;
	p2 =	seq.s32 @!p0 s5, $0x0  }
0x1f: {  	s9 =	smul.u32 $0xF7A, s1;
	s8 =	simm.s32 @!p0 $0x1BF5;
	p2 =	por !p2, p0  }
0x20: {  	[sflag:s8] =	ssyncset.s32 @!p0 $0xFFFFF086;
	s6 =	sadd.s32 @!p0 s3, s7;
	s7 =	simm.s32 @!p0 $0x108  }
0x21: {  	s3 =	sadd.s32 s3, s9;
	s6 =	sadd.s32 @!p0 $0x88, s6;
	s7 =	simm.s32 @p2 $0x1082  }
0x22: {  	[simem:s7], [sflag:s8] =	dma.local @!p0 [hbm:s6], $0xF7A  }
0x23: {  	s9 =	sor.u32 $0xD0000000, s2;
	s6 =	simm.s32 $0x108;
	_ =	swait.ge @!p0 [sflag:s8], $0x0  }
0x24: {  	s3 =	sadd.s32 $0x88, s3;
	s6 =	simm.s32 @!p1 $0x1082;
	[sflag:s4] =	ssyncset.s32 $0xFFFFF086  }
0x25: {  	[simem:s6], [sflag:s4] =	dma.local [hbm:s3], $0xF7A  }
0x26: {  	[smem:$0x3F93] =	sst s1;
	(tag) =	ssettag s2;
	_ =	strace s9  }
0x27: {  	s1 =	sld [smem:$0x3FA3]  }
0x28: {  	s2 =	sld [smem:$0x3FA4]  }
0x29: {  	s4 =	sld [smem:$0x3FA6]  }
0x2a: {  	p0 =	seq.s32 s5, $0x0;
	s5 =	sld [smem:$0x3FA7]  }
0x2b: {  	s6 =	sld [smem:$0x3FA8]  }
0x2c: {  	s7 =	sld [smem:$0x3FA9]  }
0x2d: {  	s3 =	simm.s32 $0x108;
	s8 =	sld [smem:$0x3FAA]  }
0x2e: {  	s3 =	simm.s32 @!p0 $0x1082;
	s9 =	sld [smem:$0x3FAB]  }
0x2f: {  	lr =	sadd.s32 s0, s3;
	s0 =	sld [smem:$0x3FA2]  }
0x30: {  	s3 =	sld [smem:$0x3FA5]  }
0x31: {  	[smem:$0x3FAE] =	sst s10  }
0x32: {  	s10 =	sld [smem:$0x3FAC];
	_ =	sdelay $0x3  }
0x33: {  	p0 =	seq.s32 s10, $0x1;
	s10 =	sld [smem:$0x3FAE];
	_ =	sdelay $0x3  }
0x34: {  	[smem:$0x3FAE] =	sst s10  }
0x35: {  	s10 =	sld [smem:$0x3FAD];
	_ =	sdelay $0x3  }
0x36: {  	p1 =	seq.s32 s10, $0x1;
	s10 =	sld [smem:$0x3FAE];
	_ =	sdelay $0x3  }
0x37: {  	[smem:$0x3FAE] =	sst s10  }
0x38: {  	s10 =	sld [smem:$0x3FAF]  }
0x39: {  	_ = 	snop;
	(pc) =	sbr.ind lr, $3  }
0x3a: {  	_ = 	snop  }
0x3b: {  	_ = 	snop  }
0x3c: {  	p2 =	seq.s32 s10, $0x1;
	s10 =	sld [smem:$0x3FAE]  }
0x3d: {  	_ =	shalt  }
0x3e: {  	_ =	shalt  }
0x3f: {  	_ =	shalt  }
0x40: {  	_ =	shalt  }
0x41: {  	_ =	shalt  }
0x42: {  	_ =	shalt  }
0x43: {  	_ =	shalt  }
0x44: {  	_ =	shalt  }
0x45: {  	_ =	shalt  }
0x46: {  	_ =	shalt  }
0x47: {  	_ =	shalt  }
0x48: {  	_ =	shalt  }
0x49: {  	_ =	shalt  }
0x4a: {  	_ =	shalt  }
0x4b: {  	_ =	shalt  }
0x4c: {  	_ =	shalt  }
0x4d: {  	_ =	shalt  }
0x4e: {  	_ =	shalt  }
0x4f: {  	_ =	shalt  }
0x50: {  	_ =	shalt  }
0x51: {  	_ =	shalt  }
0x52: {  	_ =	shalt  }
0x53: {  	_ =	shalt  }
0x54: {  	_ =	shalt  }
0x55: {  	_ =	shalt  }
0x56: {  	_ =	shalt  }
0x57: {  	_ =	shalt  }
0x58: {  	_ =	shalt  }
0x59: {  	_ =	shalt  }
0x5a: {  	_ =	shalt  }
0x5b: {  	_ =	shalt  }
0x5c: {  	_ =	shalt  }
0x5d: {  	_ =	shalt  }
0x5e: {  	_ =	shalt  }
0x5f: {  	_ =	shalt  }
0x60: {  	_ =	shalt  }
0x61: {  	_ =	shalt  }
0x62: {  	_ =	shalt  }
0x63: {  	_ =	shalt  }
0x64: {  	_ =	shalt  }
0x65: {  	_ =	shalt  }
0x66: {  	_ =	shalt  }
0x67: {  	_ =	shalt  }
0x68: {  	_ =	shalt  }
0x69: {  	_ =	shalt  }
0x6a: {  	_ =	shalt  }
0x6b: {  	_ =	shalt  }
0x6c: {  	_ =	shalt  }
0x6d: {  	_ =	shalt  }
0x6e: {  	_ =	shalt  }
0x6f: {  	_ =	shalt  }
0x70: {  	_ =	shalt  }
0x71: {  	_ =	shalt  }
0x72: {  	_ =	shalt  }
0x73: {  	_ =	shalt  }
0x74: {  	_ =	shalt  }
0x75: {  	_ =	shalt  }
0x76: {  	_ =	shalt  }
0x77: {  	_ =	shalt  }
0x78: {  	_ =	shalt  }
0x79: {  	_ =	shalt  }
0x7a: {  	_ =	shalt  }
0x7b: {  	_ =	shalt  }
0x7c: {  	_ =	shalt  }
0x7d: {  	_ =	shalt  }
0x7e: {  	_ =	shalt  }
0x7f: {  	_ =	shalt  }
0x80: {  	_ =	shalt  }
0x81: {  	_ =	shalt  }
0x82: {  	_ =	shalt  }
0x83: {  	_ =	shalt  }
0x84: {  	_ =	shalt  }
0x85: {  	_ =	shalt  }
0x86: {  	_ =	shalt  }
0x87: {  	_ =	shalt  }
.Lfunc_end0:
.L_simem_size_0:
called_computation.1_lowered:
.L_overlay_start_0:
0x88: {  	s2 =	sld [smem:$0x3FD9]  }
0x89: {  	s3 =	sld [smem:$0x3FFE];
	_ =	sdelay $0x1  }
0x8a: {  	s1 =	srdreg.scid  }
0x8b: {  	s0 =	sand.u32 $0x1, s1  }
0x8c: {  	s16 =	sshll.u32 s0, $0xA;
	s2 =	sadd.s32 s3, s2  }
0x8d: {  	s2 =	sadd.s32 s2, s16  }
0x8e: {  	[smem:$0x3FBA] =	sst s2  }
0x8f: {  	_ = 	snop  }
0x90: {  	(tm) =	ssettm $0x1  }
0x91: {  	s17 =	sld [smem:$0x3FFB];
	_ =	sdelay $0x3  }
0x92: {  	_ =	strace s17  }
0x93: {  	s2 =	sld [smem:$0x3FFC];
	_ =	sdelay $0x3  }
0x94: {  	_ =	strace s2  }
0x95: {  	s2 =	sld [smem:$0x3FFD];
	_ =	sdelay $0x3  }
0x96: {  	_ =	strace s2  }
0x97: {  	_ =	strace $0x8FFFFFFF  }
0x98: {  	s18 =	sld [smem:$0x3FDB];
	_ =	sdelay $0x1  }
0x99: {  	s19 =	simm.s32 $_scs_section_size  }
0x9a: {  	s4 =	simm.s32 $_size__tile_overlayer_lowered;
	s5 =	simm.s32 $_tile_overlayer_lowered  }
0x9b: {  	s22 =	simm.s32 $0x1BFF;
	s21 =	sshll.u32 s5, $0x1;
	s2 =	sadd.s32 s19, s18  }
0x9c: {  	s6 =	simm.s32 $0x0;
	s20 =	sshll.u32 s4, $0x1;
	s4 =	sadd.s32 s21, s2  }
0x9d: {  	[timem:s6], [sflag:s22] =	dma.local [hbm:s4], s20  }
0x9e: {  	_ =	swait.ge [sflag:s22], s20  }
0x9f: {  	s3 =	ssub.s32 $0x0, s20;
	[sflag:s22] =	ssyncset.done $0x0  }
0xa0: {  	[sflag:s22] =	ssyncadd.s32 s3;
	_ =	sdelay $0x1  }
0xa1: {  	s23 =	simm.s32 $0x1B8B  }
0xa2: {  	_ =	swait.ge [sflag:s23], $0x1  }
0xa3: {  	[sflag:s23] =	ssyncset.done $0x0  }
0xa4: {  	s25 =	simm.s32 $0x1B8E;
	s24 =	sld [smem:$0x3FFE];
	[sflag:s23] =	ssyncadd.s32 $0xFFFFFFFF  }
0xa5: {  	s26 =	simm.s32 $execute0_lowered;
	[smem:$0x3FD2] =	sst s25  }
0xa6: {  	s4 =	sshll.u32 s26, $0x1;
	_ =	strace $0x80000049;
	[dreg:$0x1] =	wrdreg $0xFFFFFFFF  }
0xa7: {  	s28 =	simm.s32 $_size_execute0_lowered;
	s2 =	sadd.s32 s2, s4;
	[dreg:$0x0] =	wrdreg $0x0  }
0xa8: {  	s4 =	sshll.u32 s28, $0x1;
	[dreg:$0x2] =	wrdreg s2  }
0xa9: {  	[dreg:$0x3] =	wrdreg s4  }
0xaa: {  	[dreg:$0x4] =	wrdreg $0xC0  }
0xab: {  	_ =	task [dreg:s6], $0x5FFFF  }
0xac: {  	[dreg:$0x1] =	wrdreg $0xFFFFFFFF  }
0xad: {  	[dreg:$0x0] =	wrdreg $0x60  }
0xae: {  	[dreg:$0x2] =	wrdreg s24  }
0xaf: {  	[dreg:$0x3] =	wrdreg $0x9  }
0xb0: {  	_ =	task.clear_ibuf [dreg:s6], $0x4FFFF;
	_ =	strace $0x90000049  }
0xb1: {  	s29 =	simm.s32 $0x9;
	_ =	strace $0x8000004B  }
0xb2: {  	_ =	swait.ge [sflag:s29], $0x1  }
0xb3: {  	[sflag:s29] =	ssyncadd.s32 $0xFFFFFFFF  }
0xb4: {  	_ =	strace $0x9000004B  }
0xb5: {  	_ =	sfence  }
0xb6: {  	s30 =	sld [smem:$0x0];
	_ =	sdelay $0x2  }
0xb7: {  	s31 =	sshll.u32 s1, $0xD;
	s1 =	sshrl.u32 s1, $0x2  }
0xb8: {  	s3 =	sand.u32 $0x4000, s31;
	s1 =	sadd.s32 s1, s30  }
0xb9: {  	s0 =	sor.u32 s3, s0;
	s1 =	sshll.u32 s1, $0x11  }
0xba: {  	s0 =	sor.u32 s1, s0  }
0xbb: {  	s0 =	sadd.s32 $0x8F2B, s0  }
0xbc: {  	[sflag:s0] =	ssyncadd.remote.s32 $0x1  }
0xbd: {  	_ =	sfence.sel $0xFFFF  }
0xbe: {  	[dreg:$0x0] =	wrdreg $0xFFFFFFFF;
	(pc) =	sbr.abs _section_cstart, $3  }
0xbf: {  	[dreg:$0x1] =	wrdreg $0xFFFFFFFF  }
0xc0: {  	_ =	task.clear_ibuf [dreg:s6], $0x2FFFF;
	_ =	strace $0x9FFFFFFF  }
0xc1: {  	(tm) =	ssettm $0x7FFFFFFF  }
tec
execute0_lowered:
.L_overlay_start_1:
0x0: {  	(tag) =	ssettag $0x1  }
0x1: {  	s4 =	rddreg [dreg:$0x0]  }
0x2: {  	s0 =	rddreg [dreg:$0x1];
	s2 =	simm.s32 $0x0;
	s5 =	srdreg.scid  }
0x3: {  	s1 =	stileid.u32;
	s10 =	simm.s32 $0x0;
	[smem:$0x7FF] =	sst s2  }
0x4: {  	s3 =	sadd.s32 $0x103A00, s4;
	s5 =	sand.u32 $0x1, s5;
	s6 =	sshll.u32 s1, $0xF  }
0x5: {  	s8 =	smul.u32 $0x48000, s1;
	_ =	strace $0x8000004A;
	s7 =	sshll.u32 s5, $0xE  }
0x6: {  	s9 =	ssub.s32 $0x2, s5;
	s5 =	smul.u32 $0x24000, s5;
	s6 =	sor.u32 s7, s6  }
0x7: {  	s30 =	sshrl.u32 s9, $0x1;
	s8 =	sadd.s32 s8, s4;
	s6 =	sshrl.u32 s6, $0x3  }
0x8: {  	s7 =	ssub.s32 s9, s30;
	s31 =	sadd.s32 s5, s8;
	s8 =	simm.s32 $0x200  }
0x9: {  	s9 =	simm.s32 $0x1;
	s6 =	sadd.s32 s6, s4;
	s4 =	smax.u32 s7, $0x1  }
0xa: {  	s7 =	simm.s32 $0x2;
	s5 =	sadd.s32 $0x3A00, s6;
	s6 =	sadd.s32 $0x193A00, s31  }
.LBB2_1:
0xb: {  	s11 =	sadd.s32 $0x0, s5  }
0xc: {  	[tilespmem:s2], [sflag:$0x2] =	stream.linear.gather [hbm4b:s11+s2], $0x200, $0x38;
	[tilespmem:$0x9200] =	vst v63  }
0xd: {  	_ =	swait.ge [sflag:s7], $0x200  }
0xe: {  	[sflag:s7] =	ssyncset.done $0x0  }
0xf: {  	[sflag:s7] =	ssyncadd.s32 $0xFFFFFE00  }
0x10: {  	[tilespmem:s8], [sflag:$0x1] =	stream.indirect.gather [hbm4b:s3+s8], $0x48, s2, s8, $0xb8;
	[tilespmem:$0x9200] =	vst v63  }
0x11: {  	_ =	swait.ge [sflag:s9], $0x9000  }
0x12: {  	[sflag:s9] =	ssyncset.done $0x0  }
0x13: {  	[sflag:s9] =	ssyncadd.s32 $0xFFFF7000  }
0x14: {  	[hbm4b:s6+s2] =	stream.linear.scatter [tilespmem:s8], [sflag:$0x2], $0x9000, $0x38;
	[tilespmem:$0x9200] =	vst v63  }
0x15: {  	s12 =	simm.s32 $0x40;
	_ =	swait.ge [sflag:s7], $0x9000  }
0x16: {  	s13 =	simm.s32 $0x80;
	s11 =	sadd.s32 $0x1200, s6;
	[sflag:s7] =	ssyncset.done $0x0  }
.LBB2_2:
0x17: {  	s14 =	sadd.s32 s12, s5  }
0x18: {  	[sflag:s7] =	ssyncadd.s32 $0xFFFF7000;
	s12 =	smov.u32 s13;
	s15 =	sadd.s32 $0x40, s13  }
0x19: {  	[tilespmem:s2], [sflag:$0x2] =	stream.linear.gather [hbm4b:s14+s2], $0x200, $0x38;
	[tilespmem:$0x9200] =	vst v63  }
0x1a: {  	p0 =	sne.s32 s13, $0x7C0;
	_ =	swait.ge [sflag:s7], $0x200  }
0x1b: {  	[sflag:s7] =	ssyncset.done $0x0  }
0x1c: {  	[sflag:s7] =	ssyncadd.s32 $0xFFFFFE00  }
0x1d: {  	[tilespmem:s8], [sflag:$0x1] =	stream.indirect.gather [hbm4b:s3+s8], $0x48, s2, s8, $0xb8;
	[tilespmem:$0x9200] =	vst v63  }
0x1e: {  	_ =	swait.ge [sflag:s9], $0x9000  }
.Ltmp0:
0x1f: {  	[sflag:s9] =	ssyncset.done $0x0;
	(pc) =	sbr.rel @p0 .LBB2_2-.Ltmp0, $4  }
0x20: {  	[sflag:s9] =	ssyncadd.s32 $0xFFFF7000  }
0x21: {  	[hbm4b:s11+s2] =	stream.linear.scatter [tilespmem:s8], [sflag:$0x2], $0x9000, $0x38;
	[tilespmem:$0x9200] =	vst v63  }
0x22: {  	_ =	swait.ge [sflag:s7], $0x9000  }
0x23: {  	s13 =	smov.u32 s15;
	s11 =	sadd.s32 $0x1200, s11;
	[sflag:s7] =	ssyncset.done $0x0  }
0x24: {  	s12 =	sadd.s32 s12, s5;
	[sflag:s7] =	ssyncadd.s32 $0xFFFF7000  }
0x25: {  	[tilespmem:s2], [sflag:$0x2] =	stream.linear.gather [hbm4b:s12+s2], $0x200, $0x38;
	[tilespmem:$0x9200] =	vst v63  }
0x26: {  	_ =	swait.ge [sflag:s7], $0x200  }
0x27: {  	[sflag:s7] =	ssyncset.done $0x0  }
0x28: {  	[sflag:s7] =	ssyncadd.s32 $0xFFFFFE00  }
0x29: {  	[tilespmem:s8], [sflag:$0x1] =	stream.indirect.gather [hbm4b:s3+s8], $0x48, s2, s8, $0xb8;
	[tilespmem:$0x9200] =	vst v63  }
0x2a: {  	s10 =	sadd.s32 $0x1, s10;
	_ =	swait.ge [sflag:s9], $0x9000  }
0x2b: {  	p0 =	sne.s32 s10, s4;
	[sflag:s9] =	ssyncset.done $0x0  }
.Ltmp1:
0x2c: {  	[sflag:s9] =	ssyncadd.s32 $0xFFFF7000;
	(pc) =	sbr.rel @p0 .LBB2_1-.Ltmp1, $4  }
0x2d: {  	[hbm4b:s11+s2] =	stream.linear.scatter [tilespmem:s8], [sflag:$0x2], $0x9000, $0x38;
	[tilespmem:$0x9200] =	vst v63  }
0x2e: {  	_ =	swait.ge [sflag:s7], $0x9000  }
0x2f: {  	[sflag:s7] =	ssyncset.done $0x0  }
0x30: {  	[sflag:s7] =	ssyncadd.s32 $0xFFFF7000  }
0x31: {  	_ =	sfence.sel $0x180000  }
0x32: {  	[bflag:$0x0] =	sbarrier.arrive $0xFFFF  }
0x33: {  	p0 =	sne.s32 s1, $0x0;
	_ =	strace $0x9000004A  }
0x34: {  	s0 =	sadd.s32 @!p0 $0x100000, s0;
	[bflag:$0x2] =	sbarrier.arrive $0xFFFF  }
0x35: {  	[sflag:s0] =	ssyncadd.tile.s32 @!p0 $0x1;
	_ =	shalt  }
.Lfunc_end2:
_tile_overlayer_lowered:
.L_overlay_start_2:
0x36: {  	(tag) =	ssettag $0x2  }
0x37: {  	s0 =	rddreg [dreg:$0x0];
	s2 =	stileid.u32  }
0x38: {  	s1 =	rddreg [dreg:$0x1];
	p0 =	sne.s32 s2, $0x0  }
0x39: {  	s3 =	rddreg [dreg:$0x2];
	[bflag:$0x3] =	sbarrier.arrive $0xFFFF;
	s2 =	simm.s32 @!p0 $0x1C02  }
0x3a: {  	[timem:s3], [sflag:s2] =	dma.local @!p0 [hbm:s0], s1  }
0x3b: {  	s0 =	simm.s32 @!p0 $0x2  }
0x3c: {  	_ =	swait.ge @!p0 [sflag:s0], s1  }
0x3d: {  	s1 =	ssub.s32 @!p0 $0x0, s1;
	[sflag:s0] =	ssyncset.done @!p0 $0x0  }
0x3e: {  	[sflag:s0] =	ssyncadd.s32 @!p0 s1  }
0x3f: {  	[bflag:$0x3] =	sbarrier.arrive $0xFFFF  }
0x40: {  	_ =	shalt  }

</sc_bundles>
